<compile_context>
chip_gen: v7x
topology: tpu7x:2x2x1
jax: 0.10.2.dev20260603
libtpu: 0.0.44.dev20260713+nightly
codegen_flags: <defaults>
</compile_context>

<pallas_src>
import functools

import jax
import jax.numpy as jnp
from jax import lax
from jax.experimental import pallas as pl
from jax.experimental.pallas import tpu as pltpu
from jax.experimental.pallas import tpu_sc as plsc

_NC = 2
_NS = 16
_NW = _NC * _NS
_CHUNK = 128
_TBLK = 2048


def _tc_transpose_body(a_ref, b_ref, ao_ref, bo_ref):
    ao_ref[...] = a_ref[...].T
    bo_ref[...] = b_ref[...].T


def _tc_transpose_half1(a, b, total_b):
    Bh, D = a.shape
    out = jax.ShapeDtypeStruct((D, total_b), jnp.float32)
    return pl.pallas_call(
        _tc_transpose_body,
        grid=(Bh // _TBLK,),
        in_specs=[pl.BlockSpec((_TBLK, D), lambda i: (i, 0)),
                  pl.BlockSpec((_TBLK, D), lambda i: (i, 0))],
        out_specs=[pl.BlockSpec((D, _TBLK), lambda i: (0, i)),
                   pl.BlockSpec((D, _TBLK), lambda i: (0, i))],
        out_shape=(out, out),
    )(a, b)


def _tc_transpose_body2(pm_ref, ps_ref, a_ref, b_ref, ao_ref, bo_ref):
    del pm_ref, ps_ref
    ao_ref[...] = a_ref[...].T
    bo_ref[...] = b_ref[...].T


def _tc_transpose_half2(prev_m, prev_s, a, b):
    Bh, D = a.shape
    total_b = prev_m.shape[1]
    off = (total_b - Bh) // _TBLK
    out = jax.ShapeDtypeStruct((D, total_b), jnp.float32)
    hbm = pl.BlockSpec(memory_space=pltpu.MemorySpace.HBM)
    return pl.pallas_call(
        _tc_transpose_body2,
        grid=(Bh // _TBLK,),
        in_specs=[hbm, hbm,
                  pl.BlockSpec((_TBLK, D), lambda i: (i, 0)),
                  pl.BlockSpec((_TBLK, D), lambda i: (i, 0))],
        out_specs=[pl.BlockSpec((D, _TBLK), lambda i, o=off: (0, o + i)),
                   pl.BlockSpec((D, _TBLK), lambda i, o=off: (0, o + i))],
        out_shape=(out, out),
        input_output_aliases={0: 0, 1: 1},
    )(prev_m, prev_s, a, b)


def _sc_rowgather_body(mus_hbm, sig_hbm, z_hbm, muz_hbm, sigz_hbm,
                       z_v, rows_v, gs0, gs1, ss0, ss1, *, z_off, bh):
    N, D = mus_hbm.shape
    b_per_w = bh // _NW
    n_g = b_per_w // _CHUNK

    wid = lax.axis_index("s") * _NC + lax.axis_index("c")
    base = wid * b_per_w

    for g in range(n_g):
        pltpu.sync_copy(
            z_hbm.at[pl.ds(z_off + base + g * _CHUNK, _CHUNK)], z_v.at[g])

    gsems = (gs0, gs1)
    ssems = (ss0, ss1)
    items = [(src, dst, g)
             for src, dst in ((mus_hbm, muz_hbm), (sig_hbm, sigz_hbm))
             for g in range(n_g)]
    n = len(items)
    pend_g = [None, None]
    pend_s = [None, None]

    def issue_gather(i, b):
        src, _, g = items[i]
        pend_g[b] = pltpu.async_copy(src.at[z_v.at[g]], rows_v.at[b], gsems[b])

    issue_gather(0, 0)
    for i in range(n):
        b = i % 2
        if i + 1 < n:
            b2 = (i + 1) % 2
            if pend_s[b2] is not None:
                pend_s[b2].wait()
                pend_s[b2] = None
            issue_gather(i + 1, b2)
        pend_g[b].wait()
        _, dst, g = items[i]
        pend_s[b] = pltpu.async_copy(
            rows_v.at[b], dst.at[pl.ds(base + g * _CHUNK, _CHUNK)], ssems[b])
    for b in range(2):
        if pend_s[b] is not None:
            pend_s[b].wait()


def _sc_gather(mus_t, sig_t, z, z_off, bh):
    N, D = mus_t.shape
    out_t = jax.ShapeDtypeStruct((bh, D), jnp.float32)
    mesh = plsc.VectorSubcoreMesh(core_axis_name="c", subcore_axis_name="s")
    b_per_w = bh // _NW
    n_g = b_per_w // _CHUNK
    k = functools.partial(
        pl.kernel,
        out_type=(out_t, out_t),
        mesh=mesh,
        scratch_types=[
            pltpu.VMEM((n_g, _CHUNK), jnp.int32),
            pltpu.VMEM((2, _CHUNK, D), jnp.float32),
            pltpu.SemaphoreType.DMA,
            pltpu.SemaphoreType.DMA,
            pltpu.SemaphoreType.DMA,
            pltpu.SemaphoreType.DMA,
        ],
        compiler_params=pltpu.CompilerParams(needs_layout_passes=False),
    )(functools.partial(_sc_rowgather_body, z_off=z_off, bh=bh))
    return k(mus_t, sig_t, z)


def kernel(mus, sigmas, z):
    D, N = mus.shape
    B = z.shape[0]
    mus_t = mus.T
    sig_t = sigmas.T
    part = _NW * _CHUNK
    b1 = (3 * B // 4 // part) * part
    b2 = B - b1
    muz1, sigz1 = _sc_gather(mus_t, sig_t, z, 0, b1)
    muz2, sigz2 = _sc_gather(mus_t, sig_t, z, b1, b2)
    pm, ps = _tc_transpose_half1(muz1, sigz1, B)
    return _tc_transpose_half2(pm, ps, muz2, sigz2)

# --- scband reference (transcript-rebuilt; emitter-appended) ---
"""Pipeline reference for scband-sample-cluster-88699664597551 (READ-ONLY COPY).

The authoritative reference and input builder live on the scoring server;
editing this copy changes nothing except your own understanding.
"""

import jax, jax.numpy as jnp
import numpy as np

NUM_CLUSTERS = 100000
NUM_SAMPLES = 16384
D = 128

def setup_inputs(seed: int = 0) -> dict:
    key = jax.random.key(seed)
    k1, k2, k3 = jax.random.split(key, 3)
    mus = jax.random.normal(k1, (D, NUM_CLUSTERS), dtype=jnp.float32)
    sigmas = jax.random.uniform(k2, (D, NUM_CLUSTERS), dtype=jnp.float32)
    # pi is uniform over clusters, so Categorical(pi) sampling == uniform randint.
    # We materialize the stochastic draw z as an explicit input for determinism.
    z = jax.random.randint(k3, (NUM_SAMPLES,), 0, NUM_CLUSTERS, dtype=jnp.int64 if jax.config.jax_enable_x64 else jnp.int32).astype(jnp.int32)
    return {"mus": mus, "sigmas": sigmas, "z": z}

def reference(mus, sigmas, z):
    # Original: pi = ones(num_clusters) expanded to [num_samples, num_clusters];
    # z ~ Categorical(pi) per sample (precomputed, passed in as z);
    # return (mus[:, z], sigmas[:, z])
    mus_z = jnp.take(mus, z, axis=1)
    sigmas_z = jnp.take(sigmas, z, axis=1)
    return (mus_z, sigmas_z)

if __name__ == "__main__":
    import jax
    _d = setup_inputs()
    print(jax.jit(kernel)(*tuple(_d.values())))

</pallas_src>

<mosaic_0001>
#map = affine_map<(d0, d1) -> (0, 0)>
#map1 = affine_map<(d0, d1) -> (0)>
module attributes {stable_mosaic.version = 14 : i64} {
  func.func @_sc_rowgather_body(%arg0: i32, %arg1: i32, %arg2: memref<100000x128xf32, #tpu.memory_space<hbm>>, %arg3: memref<100000x128xf32, #tpu.memory_space<hbm>>, %arg4: memref<16384xi32, #tpu.memory_space<hbm>>, %arg5: memref<12288x128xf32, #tpu.memory_space<hbm>>, %arg6: memref<12288x128xf32, #tpu.memory_space<hbm>>, %arg7: memref<3x128xi32, #tpu.memory_space<vmem>>, %arg8: memref<2x128x128xf32, #tpu.memory_space<vmem>>, %arg9: memref<!tpu.dma_semaphore, #tpu.memory_space<semaphore_mem>>, %arg10: memref<!tpu.dma_semaphore, #tpu.memory_space<semaphore_mem>>, %arg11: memref<!tpu.dma_semaphore, #tpu.memory_space<semaphore_mem>>, %arg12: memref<!tpu.dma_semaphore, #tpu.memory_space<semaphore_mem>>) attributes {dimension_semantics = [#tpu.dimension_semantics<core_parallel>, #tpu.dimension_semantics<subcore_parallel>], iteration_bounds = array<i64: 2, 16>, scalar_prefetch = 0 : i64, scratch_operands = 6 : i64, tpu.core_type = #tpu.core_type<sc_vector_subcore>, window_params = [{transform_indices = #map}, {transform_indices = #map}, {transform_indices = #map1}, {transform_indices = #map}, {transform_indices = #map}]} {
    %mul3A = arith.constant 2 : i32
    %mul3A_0 = arith.muli %arg1, %mul3A : i32
    %add3A = arith.addi %mul3A_0, %arg0 : i32
    %mul3A_1 = arith.constant 384 : i32
    %mul3A_2 = arith.muli %add3A, %mul3A_1 : i32
    %add3A_3 = arith.constant 0 : i32
    %add3A_4 = arith.addi %add3A_3, %mul3A_2 : i32
    %add3A_5 = arith.constant 0 : i32
    %add3A_6 = arith.addi %add3A_4, %add3A_5 : i32
    %run_scoped3A = arith.constant 0 : i32
    "tpu.region"() ({
      %run_scoped3A_327 = tpu.sem_alloc : memref<!tpu.dma_semaphore, #tpu.memory_space<semaphore_mem>>
      %dma_start3A_328 = arith.constant 0 : i32
      %dma_start3A_329 = tpu.memref_slice %arg7[%run_scoped3A, %dma_start3A_328] : memref<3x128xi32, #tpu.memory_space<vmem>> -> memref<1x128xi32, #tpu.memory_space<vmem>>
      %dma_start3A_330 = tpu.memref_squeeze %dma_start3A_329 : memref<1x128xi32, #tpu.memory_space<vmem>> -> memref<128xi32, #tpu.memory_space<vmem>>
      %dma_start3A_331 = tpu.memref_slice %arg4[%add3A_6] : memref<16384xi32, #tpu.memory_space<hbm>> -> memref<128xi32, #tpu.memory_space<hbm>>
      %dma_start3A_332 = arith.constant 0 : i32
      %dma_start3A_333 = tpu.memref_slice %arg7[%run_scoped3A, %dma_start3A_332] : memref<3x128xi32, #tpu.memory_space<vmem>> -> memref<1x128xi32, #tpu.memory_space<vmem>>
      %dma_start3A_334 = tpu.memref_squeeze %dma_start3A_333 : memref<1x128xi32, #tpu.memory_space<vmem>> -> memref<128xi32, #tpu.memory_space<vmem>>
      %dma_start3A_335 = tpu.memref_slice %arg4[%add3A_6] : memref<16384xi32, #tpu.memory_space<hbm>> -> memref<128xi32, #tpu.memory_space<hbm>>
      tpu.enqueue_dma source(%dma_start3A_335 : memref<128xi32, #tpu.memory_space<hbm>>) target(%dma_start3A_334 : memref<128xi32, #tpu.memory_space<vmem>>) target_semaphore(%run_scoped3A_327 : memref<!tpu.dma_semaphore, #tpu.memory_space<semaphore_mem>>)
      %dma_wait3A_336 = arith.constant 0 : i32
      %dma_wait3A_337 = tpu.memref_slice %arg7[%run_scoped3A, %dma_wait3A_336] : memref<3x128xi32, #tpu.memory_space<vmem>> -> memref<1x128xi32, #tpu.memory_space<vmem>>
      %dma_wait3A_338 = tpu.memref_squeeze %dma_wait3A_337 : memref<1x128xi32, #tpu.memory_space<vmem>> -> memref<128xi32, #tpu.memory_space<vmem>>
      %dma_wait3A_339 = tpu.memref_slice %arg4[%add3A_6] : memref<16384xi32, #tpu.memory_space<hbm>> -> memref<128xi32, #tpu.memory_space<hbm>>
      %dma_wait3A_340 = arith.constant 0 : i32
      %dma_wait3A_341 = tpu.memref_slice %arg7[%run_scoped3A, %dma_wait3A_340] : memref<3x128xi32, #tpu.memory_space<vmem>> -> memref<1x128xi32, #tpu.memory_space<vmem>>
      %dma_wait3A_342 = tpu.memref_squeeze %dma_wait3A_341 : memref<1x128xi32, #tpu.memory_space<vmem>> -> memref<128xi32, #tpu.memory_space<vmem>>
      %dma_wait3A_343 = tpu.memref_slice %arg4[%add3A_6] : memref<16384xi32, #tpu.memory_space<hbm>> -> memref<128xi32, #tpu.memory_space<hbm>>
      tpu.wait_dma2 semaphore(%run_scoped3A_327 : memref<!tpu.dma_semaphore, #tpu.memory_space<semaphore_mem>>) src(%dma_wait3A_343 : memref<128xi32, #tpu.memory_space<hbm>>) dst(%dma_wait3A_342 : memref<128xi32, #tpu.memory_space<vmem>>)
      tpu.yield
    }) : () -> ()
    %add3A_7 = arith.constant 0 : i32
    %add3A_8 = arith.addi %add3A_7, %mul3A_2 : i32
    %add3A_9 = arith.constant 128 : i32
    %add3A_10 = arith.addi %add3A_8, %add3A_9 : i32
    %run_scoped3A_11 = arith.constant 1 : i32
    "tpu.region"() ({
      %run_scoped3A_327 = tpu.sem_alloc : memref<!tpu.dma_semaphore, #tpu.memory_space<semaphore_mem>>
      %dma_start3A_328 = arith.constant 0 : i32
      %dma_start3A_329 = tpu.memref_slice %arg7[%run_scoped3A_11, %dma_start3A_328] : memref<3x128xi32, #tpu.memory_space<vmem>> -> memref<1x128xi32, #tpu.memory_space<vmem>>
      %dma_start3A_330 = tpu.memref_squeeze %dma_start3A_329 : memref<1x128xi32, #tpu.memory_space<vmem>> -> memref<128xi32, #tpu.memory_space<vmem>>
      %dma_start3A_331 = tpu.memref_slice %arg4[%add3A_10] : memref<16384xi32, #tpu.memory_space<hbm>> -> memref<128xi32, #tpu.memory_space<hbm>>
      %dma_start3A_332 = arith.constant 0 : i32
      %dma_start3A_333 = tpu.memref_slice %arg7[%run_scoped3A_11, %dma_start3A_332] : memref<3x128xi32, #tpu.memory_space<vmem>> -> memref<1x128xi32, #tpu.memory_space<vmem>>
      %dma_start3A_334 = tpu.memref_squeeze %dma_start3A_333 : memref<1x128xi32, #tpu.memory_space<vmem>> -> memref<128xi32, #tpu.memory_space<vmem>>
      %dma_start3A_335 = tpu.memref_slice %arg4[%add3A_10] : memref<16384xi32, #tpu.memory_space<hbm>> -> memref<128xi32, #tpu.memory_space<hbm>>
      tpu.enqueue_dma source(%dma_start3A_335 : memref<128xi32, #tpu.memory_space<hbm>>) target(%dma_start3A_334 : memref<128xi32, #tpu.memory_space<vmem>>) target_semaphore(%run_scoped3A_327 : memref<!tpu.dma_semaphore, #tpu.memory_space<semaphore_mem>>)
      %dma_wait3A_336 = arith.constant 0 : i32
      %dma_wait3A_337 = tpu.memref_slice %arg7[%run_scoped3A_11, %dma_wait3A_336] : memref<3x128xi32, #tpu.memory_space<vmem>> -> memref<1x128xi32, #tpu.memory_space<vmem>>
      %dma_wait3A_338 = tpu.memref_squeeze %dma_wait3A_337 : memref<1x128xi32, #tpu.memory_space<vmem>> -> memref<128xi32, #tpu.memory_space<vmem>>
      %dma_wait3A_339 = tpu.memref_slice %arg4[%add3A_10] : memref<16384xi32, #tpu.memory_space<hbm>> -> memref<128xi32, #tpu.memory_space<hbm>>
      %dma_wait3A_340 = arith.constant 0 : i32
      %dma_wait3A_341 = tpu.memref_slice %arg7[%run_scoped3A_11, %dma_wait3A_340] : memref<3x128xi32, #tpu.memory_space<vmem>> -> memref<1x128xi32, #tpu.memory_space<vmem>>
      %dma_wait3A_342 = tpu.memref_squeeze %dma_wait3A_341 : memref<1x128xi32, #tpu.memory_space<vmem>> -> memref<128xi32, #tpu.memory_space<vmem>>
      %dma_wait3A_343 = tpu.memref_slice %arg4[%add3A_10] : memref<16384xi32, #tpu.memory_space<hbm>> -> memref<128xi32, #tpu.memory_space<hbm>>
      tpu.wait_dma2 semaphore(%run_scoped3A_327 : memref<!tpu.dma_semaphore, #tpu.memory_space<semaphore_mem>>) src(%dma_wait3A_343 : memref<128xi32, #tpu.memory_space<hbm>>) dst(%dma_wait3A_342 : memref<128xi32, #tpu.memory_space<vmem>>)
      tpu.yield
    }) : () -> ()
    %add3A_12 = arith.constant 0 : i32
    %add3A_13 = arith.addi %add3A_12, %mul3A_2 : i32
    %add3A_14 = arith.constant 256 : i32
    %add3A_15 = arith.addi %add3A_13, %add3A_14 : i32
    %run_scoped3A_16 = arith.constant 2 : i32
    "tpu.region"() ({
      %run_scoped3A_327 = tpu.sem_alloc : memref<!tpu.dma_semaphore, #tpu.memory_space<semaphore_mem>>
      %dma_start3A_328 = arith.constant 0 : i32
      %dma_start3A_329 = tpu.memref_slice %arg7[%run_scoped3A_16, %dma_start3A_328] : memref<3x128xi32, #tpu.memory_space<vmem>> -> memref<1x128xi32, #tpu.memory_space<vmem>>
      %dma_start3A_330 = tpu.memref_squeeze %dma_start3A_329 : memref<1x128xi32, #tpu.memory_space<vmem>> -> memref<128xi32, #tpu.memory_space<vmem>>
      %dma_start3A_331 = tpu.memref_slice %arg4[%add3A_15] : memref<16384xi32, #tpu.memory_space<hbm>> -> memref<128xi32, #tpu.memory_space<hbm>>
      %dma_start3A_332 = arith.constant 0 : i32
      %dma_start3A_333 = tpu.memref_slice %arg7[%run_scoped3A_16, %dma_start3A_332] : memref<3x128xi32, #tpu.memory_space<vmem>> -> memref<1x128xi32, #tpu.memory_space<vmem>>
      %dma_start3A_334 = tpu.memref_squeeze %dma_start3A_333 : memref<1x128xi32, #tpu.memory_space<vmem>> -> memref<128xi32, #tpu.memory_space<vmem>>
      %dma_start3A_335 = tpu.memref_slice %arg4[%add3A_15] : memref<16384xi32, #tpu.memory_space<hbm>> -> memref<128xi32, #tpu.memory_space<hbm>>
      tpu.enqueue_dma source(%dma_start3A_335 : memref<128xi32, #tpu.memory_space<hbm>>) target(%dma_start3A_334 : memref<128xi32, #tpu.memory_space<vmem>>) target_semaphore(%run_scoped3A_327 : memref<!tpu.dma_semaphore, #tpu.memory_space<semaphore_mem>>)
      %dma_wait3A_336 = arith.constant 0 : i32
      %dma_wait3A_337 = tpu.memref_slice %arg7[%run_scoped3A_16, %dma_wait3A_336] : memref<3x128xi32, #tpu.memory_space<vmem>> -> memref<1x128xi32, #tpu.memory_space<vmem>>
      %dma_wait3A_338 = tpu.memref_squeeze %dma_wait3A_337 : memref<1x128xi32, #tpu.memory_space<vmem>> -> memref<128xi32, #tpu.memory_space<vmem>>
      %dma_wait3A_339 = tpu.memref_slice %arg4[%add3A_15] : memref<16384xi32, #tpu.memory_space<hbm>> -> memref<128xi32, #tpu.memory_space<hbm>>
      %dma_wait3A_340 = arith.constant 0 : i32
      %dma_wait3A_341 = tpu.memref_slice %arg7[%run_scoped3A_16, %dma_wait3A_340] : memref<3x128xi32, #tpu.memory_space<vmem>> -> memref<1x128xi32, #tpu.memory_space<vmem>>
      %dma_wait3A_342 = tpu.memref_squeeze %dma_wait3A_341 : memref<1x128xi32, #tpu.memory_space<vmem>> -> memref<128xi32, #tpu.memory_space<vmem>>
      %dma_wait3A_343 = tpu.memref_slice %arg4[%add3A_15] : memref<16384xi32, #tpu.memory_space<hbm>> -> memref<128xi32, #tpu.memory_space<hbm>>
      tpu.wait_dma2 semaphore(%run_scoped3A_327 : memref<!tpu.dma_semaphore, #tpu.memory_space<semaphore_mem>>) src(%dma_wait3A_343 : memref<128xi32, #tpu.memory_space<hbm>>) dst(%dma_wait3A_342 : memref<128xi32, #tpu.memory_space<vmem>>)
      tpu.yield
    }) : () -> ()
    %dma_start3A = arith.constant 0 : i32
    %dma_start3A_17 = arith.constant 0 : i32
    %dma_start3A_18 = arith.constant 0 : i32
    %dma_start3A_19 = arith.constant 0 : i32
    %dma_start3A_20 = tpu.memref_slice %arg8[%dma_start3A_17, %dma_start3A_18, %dma_start3A_19] : memref<2x128x128xf32, #tpu.memory_space<vmem>> -> memref<1x128x128xf32, #tpu.memory_space<vmem>>
    %dma_start3A_21 = tpu.memref_squeeze %dma_start3A_20 : memref<1x128x128xf32, #tpu.memory_space<vmem>> -> memref<128x128xf32, #tpu.memory_space<vmem>>
    %dma_start3A_22 = arith.constant 0 : i32
    %dma_start3A_23 = tpu.memref_slice %arg7[%dma_start3A, %dma_start3A_22] : memref<3x128xi32, #tpu.memory_space<vmem>> -> memref<1x128xi32, #tpu.memory_space<vmem>>
    %dma_start3A_24 = tpu.memref_squeeze %dma_start3A_23 : memref<1x128xi32, #tpu.memory_space<vmem>> -> memref<128xi32, #tpu.memory_space<vmem>>
    %dma_start3A_25 = arith.constant 0 : i32
    %dma_start3A_26 = arith.constant 0 : i32
    %dma_start3A_27 = tpu.memref_slice %arg2[%dma_start3A_25, %dma_start3A_26] : memref<100000x128xf32, #tpu.memory_space<hbm>> -> memref<100000x128xf32, #tpu.memory_space<hbm>>
    tpu.enqueue_indirect_dma source(%dma_start3A_27 : memref<100000x128xf32, #tpu.memory_space<hbm>>) target(%dma_start3A_21 : memref<128x128xf32, #tpu.memory_space<vmem>>) offsets(%dma_start3A_24 : memref<128xi32, #tpu.memory_space<vmem>>) semaphore(%arg9 : memref<!tpu.dma_semaphore, #tpu.memory_space<semaphore_mem>>)
    %dma_start3A_28 = arith.constant 1 : i32
    %dma_start3A_29 = arith.constant 1 : i32
    %dma_start3A_30 = arith.constant 0 : i32
    %dma_start3A_31 = arith.constant 0 : i32
    %dma_start3A_32 = tpu.memref_slice %arg8[%dma_start3A_29, %dma_start3A_30, %dma_start3A_31] : memref<2x128x128xf32, #tpu.memory_space<vmem>> -> memref<1x128x128xf32, #tpu.memory_space<vmem>>
    %dma_start3A_33 = tpu.memref_squeeze %dma_start3A_32 : memref<1x128x128xf32, #tpu.memory_space<vmem>> -> memref<128x128xf32, #tpu.memory_space<vmem>>
    %dma_start3A_34 = arith.constant 0 : i32
    %dma_start3A_35 = tpu.memref_slice %arg7[%dma_start3A_28, %dma_start3A_34] : memref<3x128xi32, #tpu.memory_space<vmem>> -> memref<1x128xi32, #tpu.memory_space<vmem>>
    %dma_start3A_36 = tpu.memref_squeeze %dma_start3A_35 : memref<1x128xi32, #tpu.memory_space<vmem>> -> memref<128xi32, #tpu.memory_space<vmem>>
    %dma_start3A_37 = arith.constant 0 : i32
    %dma_start3A_38 = arith.constant 0 : i32
    %dma_start3A_39 = tpu.memref_slice %arg2[%dma_start3A_37, %dma_start3A_38] : memref<100000x128xf32, #tpu.memory_space<hbm>> -> memref<100000x128xf32, #tpu.memory_space<hbm>>
    tpu.enqueue_indirect_dma source(%dma_start3A_39 : memref<100000x128xf32, #tpu.memory_space<hbm>>) target(%dma_start3A_33 : memref<128x128xf32, #tpu.memory_space<vmem>>) offsets(%dma_start3A_36 : memref<128xi32, #tpu.memory_space<vmem>>) semaphore(%arg10 : memref<!tpu.dma_semaphore, #tpu.memory_space<semaphore_mem>>)
    %dma_wait3A = arith.constant 0 : i32
    %dma_wait3A_40 = arith.constant 0 : i32
    %dma_wait3A_41 = arith.constant 0 : i32
    %dma_wait3A_42 = arith.constant 0 : i32
    %dma_wait3A_43 = tpu.memref_slice %arg8[%dma_wait3A_40, %dma_wait3A_41, %dma_wait3A_42] : memref<2x128x128xf32, #tpu.memory_space<vmem>> -> memref<1x128x128xf32, #tpu.memory_space<vmem>>
    %dma_wait3A_44 = tpu.memref_squeeze %dma_wait3A_43 : memref<1x128x128xf32, #tpu.memory_space<vmem>> -> memref<128x128xf32, #tpu.memory_space<vmem>>
    %dma_wait3A_45 = arith.constant 0 : i32
    %dma_wait3A_46 = tpu.memref_slice %arg7[%dma_wait3A, %dma_wait3A_45] : memref<3x128xi32, #tpu.memory_space<vmem>> -> memref<1x128xi32, #tpu.memory_space<vmem>>
    %dma_wait3A_47 = tpu.memref_squeeze %dma_wait3A_46 : memref<1x128xi32, #tpu.memory_space<vmem>> -> memref<128xi32, #tpu.memory_space<vmem>>
    %dma_wait3A_48 = arith.constant 0 : i32
    %dma_wait3A_49 = arith.constant 0 : i32
    %dma_wait3A_50 = tpu.memref_slice %arg2[%dma_wait3A_48, %dma_wait3A_49] : memref<100000x128xf32, #tpu.memory_space<hbm>> -> memref<100000x128xf32, #tpu.memory_space<hbm>>
    tpu.wait_indirect_dma semaphore(%arg9 : memref<!tpu.dma_semaphore, #tpu.memory_space<semaphore_mem>>) src(%dma_wait3A_50 : memref<100000x128xf32, #tpu.memory_space<hbm>>) dst(%dma_wait3A_44 : memref<128x128xf32, #tpu.memory_space<vmem>>)
    %add3A_51 = arith.constant 0 : i32
    %add3A_52 = arith.addi %mul3A_2, %add3A_51 : i32
    %dma_start3A_53 = arith.constant 0 : i32
    %dma_start3A_54 = arith.constant 0 : i32
    %dma_start3A_55 = arith.constant 0 : i32
    %dma_start3A_56 = tpu.memref_slice %arg8[%dma_start3A_53, %dma_start3A_54, %dma_start3A_55] : memref<2x128x128xf32, #tpu.memory_space<vmem>> -> memref<1x128x128xf32, #tpu.memory_space<vmem>>
    %dma_start3A_57 = tpu.memref_squeeze %dma_start3A_56 : memref<1x128x128xf32, #tpu.memory_space<vmem>> -> memref<128x128xf32, #tpu.memory_space<vmem>>
    %dma_start3A_58 = arith.constant 0 : i32
    %dma_start3A_59 = tpu.memref_slice %arg5[%add3A_52, %dma_start3A_58] : memref<12288x128xf32, #tpu.memory_space<hbm>> -> memref<128x128xf32, #tpu.memory_space<hbm>>
    %dma_start3A_60 = arith.constant 0 : i32
    %dma_start3A_61 = tpu.memref_slice %arg5[%add3A_52, %dma_start3A_60] : memref<12288x128xf32, #tpu.memory_space<hbm>> -> memref<128x128xf32, #tpu.memory_space<hbm>>
    %dma_start3A_62 = arith.constant 0 : i32
    %dma_start3A_63 = arith.constant 0 : i32
    %dma_start3A_64 = tpu.memref_slice %arg8[%dma_start3A_53, %dma_start3A_62, %dma_start3A_63] : memref<2x128x128xf32, #tpu.memory_space<vmem>> -> memref<1x128x128xf32, #tpu.memory_space<vmem>>
    %dma_start3A_65 = tpu.memref_squeeze %dma_start3A_64 : memref<1x128x128xf32, #tpu.memory_space<vmem>> -> memref<128x128xf32, #tpu.memory_space<vmem>>
    tpu.enqueue_dma source(%dma_start3A_65 : memref<128x128xf32, #tpu.memory_space<vmem>>) target(%dma_start3A_61 : memref<128x128xf32, #tpu.memory_space<hbm>>) target_semaphore(%arg11 : memref<!tpu.dma_semaphore, #tpu.memory_space<semaphore_mem>>)
    %dma_wait3A_66 = arith.constant 0 : i32
    %dma_wait3A_67 = arith.constant 0 : i32
    %dma_wait3A_68 = arith.constant 0 : i32
    %dma_wait3A_69 = tpu.memref_slice %arg8[%dma_wait3A_66, %dma_wait3A_67, %dma_wait3A_68] : memref<2x128x128xf32, #tpu.memory_space<vmem>> -> memref<1x128x128xf32, #tpu.memory_space<vmem>>
    %dma_wait3A_70 = tpu.memref_squeeze %dma_wait3A_69 : memref<1x128x128xf32, #tpu.memory_space<vmem>> -> memref<128x128xf32, #tpu.memory_space<vmem>>
    %dma_wait3A_71 = arith.constant 0 : i32
    %dma_wait3A_72 = tpu.memref_slice %arg5[%add3A_52, %dma_wait3A_71] : memref<12288x128xf32, #tpu.memory_space<hbm>> -> memref<128x128xf32, #tpu.memory_space<hbm>>
    %dma_wait3A_73 = arith.constant 0 : i32
    %dma_wait3A_74 = tpu.memref_slice %arg5[%add3A_52, %dma_wait3A_73] : memref<12288x128xf32, #tpu.memory_space<hbm>> -> memref<128x128xf32, #tpu.memory_space<hbm>>
    %dma_wait3A_75 = arith.constant 0 : i32
    %dma_wait3A_76 = arith.constant 0 : i32
    %dma_wait3A_77 = tpu.memref_slice %arg8[%dma_wait3A_66, %dma_wait3A_75, %dma_wait3A_76] : memref<2x128x128xf32, #tpu.memory_space<vmem>> -> memref<1x128x128xf32, #tpu.memory_space<vmem>>
    %dma_wait3A_78 = tpu.memref_squeeze %dma_wait3A_77 : memref<1x128x128xf32, #tpu.memory_space<vmem>> -> memref<128x128xf32, #tpu.memory_space<vmem>>
    tpu.wait_dma2 semaphore(%arg11 : memref<!tpu.dma_semaphore, #tpu.memory_space<semaphore_mem>>) src(%dma_wait3A_78 : memref<128x128xf32, #tpu.memory_space<vmem>>) dst(%dma_wait3A_74 : memref<128x128xf32, #tpu.memory_space<hbm>>)
    %dma_start3A_79 = arith.constant 2 : i32
    %dma_start3A_80 = arith.constant 0 : i32
    %dma_start3A_81 = arith.constant 0 : i32
    %dma_start3A_82 = arith.constant 0 : i32
    %dma_start3A_83 = tpu.memref_slice %arg8[%dma_start3A_80, %dma_start3A_81, %dma_start3A_82] : memref<2x128x128xf32, #tpu.memory_space<vmem>> -> memref<1x128x128xf32, #tpu.memory_space<vmem>>
    %dma_start3A_84 = tpu.memref_squeeze %dma_start3A_83 : memref<1x128x128xf32, #tpu.memory_space<vmem>> -> memref<128x128xf32, #tpu.memory_space<vmem>>
    %dma_start3A_85 = arith.constant 0 : i32
    %dma_start3A_86 = tpu.memref_slice %arg7[%dma_start3A_79, %dma_start3A_85] : memref<3x128xi32, #tpu.memory_space<vmem>> -> memref<1x128xi32, #tpu.memory_space<vmem>>
    %dma_start3A_87 = tpu.memref_squeeze %dma_start3A_86 : memref<1x128xi32, #tpu.memory_space<vmem>> -> memref<128xi32, #tpu.memory_space<vmem>>
    %dma_start3A_88 = arith.constant 0 : i32
    %dma_start3A_89 = arith.constant 0 : i32
    %dma_start3A_90 = tpu.memref_slice %arg2[%dma_start3A_88, %dma_start3A_89] : memref<100000x128xf32, #tpu.memory_space<hbm>> -> memref<100000x128xf32, #tpu.memory_space<hbm>>
    tpu.enqueue_indirect_dma source(%dma_start3A_90 : memref<100000x128xf32, #tpu.memory_space<hbm>>) target(%dma_start3A_84 : memref<128x128xf32, #tpu.memory_space<vmem>>) offsets(%dma_start3A_87 : memref<128xi32, #tpu.memory_space<vmem>>) semaphore(%arg9 : memref<!tpu.dma_semaphore, #tpu.memory_space<semaphore_mem>>)
    %dma_wait3A_91 = arith.constant 1 : i32
    %dma_wait3A_92 = arith.constant 1 : i32
    %dma_wait3A_93 = arith.constant 0 : i32
    %dma_wait3A_94 = arith.constant 0 : i32
    %dma_wait3A_95 = tpu.memref_slice %arg8[%dma_wait3A_92, %dma_wait3A_93, %dma_wait3A_94] : memref<2x128x128xf32, #tpu.memory_space<vmem>> -> memref<1x128x128xf32, #tpu.memory_space<vmem>>
    %dma_wait3A_96 = tpu.memref_squeeze %dma_wait3A_95 : memref<1x128x128xf32, #tpu.memory_space<vmem>> -> memref<128x128xf32, #tpu.memory_space<vmem>>
    %dma_wait3A_97 = arith.constant 0 : i32
    %dma_wait3A_98 = tpu.memref_slice %arg7[%dma_wait3A_91, %dma_wait3A_97] : memref<3x128xi32, #tpu.memory_space<vmem>> -> memref<1x128xi32, #tpu.memory_space<vmem>>
    %dma_wait3A_99 = tpu.memref_squeeze %dma_wait3A_98 : memref<1x128xi32, #tpu.memory_space<vmem>> -> memref<128xi32, #tpu.memory_space<vmem>>
    %dma_wait3A_100 = arith.constant 0 : i32
    %dma_wait3A_101 = arith.constant 0 : i32
    %dma_wait3A_102 = tpu.memref_slice %arg2[%dma_wait3A_100, %dma_wait3A_101] : memref<100000x128xf32, #tpu.memory_space<hbm>> -> memref<100000x128xf32, #tpu.memory_space<hbm>>
    tpu.wait_indirect_dma semaphore(%arg10 : memref<!tpu.dma_semaphore, #tpu.memory_space<semaphore_mem>>) src(%dma_wait3A_102 : memref<100000x128xf32, #tpu.memory_space<hbm>>) dst(%dma_wait3A_96 : memref<128x128xf32, #tpu.memory_space<vmem>>)
    %add3A_103 = arith.constant 128 : i32
    %add3A_104 = arith.addi %mul3A_2, %add3A_103 : i32
    %dma_start3A_105 = arith.constant 1 : i32
    %dma_start3A_106 = arith.constant 0 : i32
    %dma_start3A_107 = arith.constant 0 : i32
    %dma_start3A_108 = tpu.memref_slice %arg8[%dma_start3A_105, %dma_start3A_106, %dma_start3A_107] : memref<2x128x128xf32, #tpu.memory_space<vmem>> -> memref<1x128x128xf32, #tpu.memory_space<vmem>>
    %dma_start3A_109 = tpu.memref_squeeze %dma_start3A_108 : memref<1x128x128xf32, #tpu.memory_space<vmem>> -> memref<128x128xf32, #tpu.memory_space<vmem>>
    %dma_start3A_110 = arith.constant 0 : i32
    %dma_start3A_111 = tpu.memref_slice %arg5[%add3A_104, %dma_start3A_110] : memref<12288x128xf32, #tpu.memory_space<hbm>> -> memref<128x128xf32, #tpu.memory_space<hbm>>
    %dma_start3A_112 = arith.constant 0 : i32
    %dma_start3A_113 = tpu.memref_slice %arg5[%add3A_104, %dma_start3A_112] : memref<12288x128xf32, #tpu.memory_space<hbm>> -> memref<128x128xf32, #tpu.memory_space<hbm>>
    %dma_start3A_114 = arith.constant 0 : i32
    %dma_start3A_115 = arith.constant 0 : i32
    %dma_start3A_116 = tpu.memref_slice %arg8[%dma_start3A_105, %dma_start3A_114, %dma_start3A_115] : memref<2x128x128xf32, #tpu.memory_space<vmem>> -> memref<1x128x128xf32, #tpu.memory_space<vmem>>
    %dma_start3A_117 = tpu.memref_squeeze %dma_start3A_116 : memref<1x128x128xf32, #tpu.memory_space<vmem>> -> memref<128x128xf32, #tpu.memory_space<vmem>>
    tpu.enqueue_dma source(%dma_start3A_117 : memref<128x128xf32, #tpu.memory_space<vmem>>) target(%dma_start3A_113 : memref<128x128xf32, #tpu.memory_space<hbm>>) target_semaphore(%arg12 : memref<!tpu.dma_semaphore, #tpu.memory_space<semaphore_mem>>)
    %dma_wait3A_118 = arith.constant 1 : i32
    %dma_wait3A_119 = arith.constant 0 : i32
    %dma_wait3A_120 = arith.constant 0 : i32
    %dma_wait3A_121 = tpu.memref_slice %arg8[%dma_wait3A_118, %dma_wait3A_119, %dma_wait3A_120] : memref<2x128x128xf32, #tpu.memory_space<vmem>> -> memref<1x128x128xf32, #tpu.memory_space<vmem>>
    %dma_wait3A_122 = tpu.memref_squeeze %dma_wait3A_121 : memref<1x128x128xf32, #tpu.memory_space<vmem>> -> memref<128x128xf32, #tpu.memory_space<vmem>>
    %dma_wait3A_123 = arith.constant 0 : i32
    %dma_wait3A_124 = tpu.memref_slice %arg5[%add3A_104, %dma_wait3A_123] : memref<12288x128xf32, #tpu.memory_space<hbm>> -> memref<128x128xf32, #tpu.memory_space<hbm>>
    %dma_wait3A_125 = arith.constant 0 : i32
    %dma_wait3A_126 = tpu.memref_slice %arg5[%add3A_104, %dma_wait3A_125] : memref<12288x128xf32, #tpu.memory_space<hbm>> -> memref<128x128xf32, #tpu.memory_space<hbm>>
    %dma_wait3A_127 = arith.constant 0 : i32
    %dma_wait3A_128 = arith.constant 0 : i32
    %dma_wait3A_129 = tpu.memref_slice %arg8[%dma_wait3A_118, %dma_wait3A_127, %dma_wait3A_128] : memref<2x128x128xf32, #tpu.memory_space<vmem>> -> memref<1x128x128xf32, #tpu.memory_space<vmem>>
    %dma_wait3A_130 = tpu.memref_squeeze %dma_wait3A_129 : memref<1x128x128xf32, #tpu.memory_space<vmem>> -> memref<128x128xf32, #tpu.memory_space<vmem>>
    tpu.wait_dma2 semaphore(%arg12 : memref<!tpu.dma_semaphore, #tpu.memory_space<semaphore_mem>>) src(%dma_wait3A_130 : memref<128x128xf32, #tpu.memory_space<vmem>>) dst(%dma_wait3A_126 : memref<128x128xf32, #tpu.memory_space<hbm>>)
    %dma_start3A_131 = arith.constant 0 : i32
    %dma_start3A_132 = arith.constant 1 : i32
    %dma_start3A_133 = arith.constant 0 : i32
    %dma_start3A_134 = arith.constant 0 : i32
    %dma_start3A_135 = tpu.memref_slice %arg8[%dma_start3A_132, %dma_start3A_133, %dma_start3A_134] : memref<2x128x128xf32, #tpu.memory_space<vmem>> -> memref<1x128x128xf32, #tpu.memory_space<vmem>>
    %dma_start3A_136 = tpu.memref_squeeze %dma_start3A_135 : memref<1x128x128xf32, #tpu.memory_space<vmem>> -> memref<128x128xf32, #tpu.memory_space<vmem>>
    %dma_start3A_137 = arith.constant 0 : i32
    %dma_start3A_138 = tpu.memref_slice %arg7[%dma_start3A_131, %dma_start3A_137] : memref<3x128xi32, #tpu.memory_space<vmem>> -> memref<1x128xi32, #tpu.memory_space<vmem>>
    %dma_start3A_139 = tpu.memref_squeeze %dma_start3A_138 : memref<1x128xi32, #tpu.memory_space<vmem>> -> memref<128xi32, #tpu.memory_space<vmem>>
    %dma_start3A_140 = arith.constant 0 : i32
    %dma_start3A_141 = arith.constant 0 : i32
    %dma_start3A_142 = tpu.memref_slice %arg3[%dma_start3A_140, %dma_start3A_141] : memref<100000x128xf32, #tpu.memory_space<hbm>> -> memref<100000x128xf32, #tpu.memory_space<hbm>>
    tpu.enqueue_indirect_dma source(%dma_start3A_142 : memref<100000x128xf32, #tpu.memory_space<hbm>>) target(%dma_start3A_136 : memref<128x128xf32, #tpu.memory_space<vmem>>) offsets(%dma_start3A_139 : memref<128xi32, #tpu.memory_space<vmem>>) semaphore(%arg10 : memref<!tpu.dma_semaphore, #tpu.memory_space<semaphore_mem>>)
    %dma_wait3A_143 = arith.constant 2 : i32
    %dma_wait3A_144 = arith.constant 0 : i32
    %dma_wait3A_145 = arith.constant 0 : i32
    %dma_wait3A_146 = arith.constant 0 : i32
    %dma_wait3A_147 = tpu.memref_slice %arg8[%dma_wait3A_144, %dma_wait3A_145, %dma_wait3A_146] : memref<2x128x128xf32, #tpu.memory_space<vmem>> -> memref<1x128x128xf32, #tpu.memory_space<vmem>>
    %dma_wait3A_148 = tpu.memref_squeeze %dma_wait3A_147 : memref<1x128x128xf32, #tpu.memory_space<vmem>> -> memref<128x128xf32, #tpu.memory_space<vmem>>
    %dma_wait3A_149 = arith.constant 0 : i32
    %dma_wait3A_150 = tpu.memref_slice %arg7[%dma_wait3A_143, %dma_wait3A_149] : memref<3x128xi32, #tpu.memory_space<vmem>> -> memref<1x128xi32, #tpu.memory_space<vmem>>
    %dma_wait3A_151 = tpu.memref_squeeze %dma_wait3A_150 : memref<1x128xi32, #tpu.memory_space<vmem>> -> memref<128xi32, #tpu.memory_space<vmem>>
    %dma_wait3A_152 = arith.constant 0 : i32
    %dma_wait3A_153 = arith.constant 0 : i32
    %dma_wait3A_154 = tpu.memref_slice %arg2[%dma_wait3A_152, %dma_wait3A_153] : memref<100000x128xf32, #tpu.memory_space<hbm>> -> memref<100000x128xf32, #tpu.memory_space<hbm>>
    tpu.wait_indirect_dma semaphore(%arg9 : memref<!tpu.dma_semaphore, #tpu.memory_space<semaphore_mem>>) src(%dma_wait3A_154 : memref<100000x128xf32, #tpu.memory_space<hbm>>) dst(%dma_wait3A_148 : memref<128x128xf32, #tpu.memory_space<vmem>>)
    %add3A_155 = arith.constant 256 : i32
    %add3A_156 = arith.addi %mul3A_2, %add3A_155 : i32
    %dma_start3A_157 = arith.constant 0 : i32
    %dma_start3A_158 = arith.constant 0 : i32
    %dma_start3A_159 = arith.constant 0 : i32
    %dma_start3A_160 = tpu.memref_slice %arg8[%dma_start3A_157, %dma_start3A_158, %dma_start3A_159] : memref<2x128x128xf32, #tpu.memory_space<vmem>> -> memref<1x128x128xf32, #tpu.memory_space<vmem>>
    %dma_start3A_161 = tpu.memref_squeeze %dma_start3A_160 : memref<1x128x128xf32, #tpu.memory_space<vmem>> -> memref<128x128xf32, #tpu.memory_space<vmem>>
    %dma_start3A_162 = arith.constant 0 : i32
    %dma_start3A_163 = tpu.memref_slice %arg5[%add3A_156, %dma_start3A_162] : memref<12288x128xf32, #tpu.memory_space<hbm>> -> memref<128x128xf32, #tpu.memory_space<hbm>>
    %dma_start3A_164 = arith.constant 0 : i32
    %dma_start3A_165 = tpu.memref_slice %arg5[%add3A_156, %dma_start3A_164] : memref<12288x128xf32, #tpu.memory_space<hbm>> -> memref<128x128xf32, #tpu.memory_space<hbm>>
    %dma_start3A_166 = arith.constant 0 : i32
    %dma_start3A_167 = arith.constant 0 : i32
    %dma_start3A_168 = tpu.memref_slice %arg8[%dma_start3A_157, %dma_start3A_166, %dma_start3A_167] : memref<2x128x128xf32, #tpu.memory_space<vmem>> -> memref<1x128x128xf32, #tpu.memory_space<vmem>>
    %dma_start3A_169 = tpu.memref_squeeze %dma_start3A_168 : memref<1x128x128xf32, #tpu.memory_space<vmem>> -> memref<128x128xf32, #tpu.memory_space<vmem>>
    tpu.enqueue_dma source(%dma_start3A_169 : memref<128x128xf32, #tpu.memory_space<vmem>>) target(%dma_start3A_165 : memref<128x128xf32, #tpu.memory_space<hbm>>) target_semaphore(%arg11 : memref<!tpu.dma_semaphore, #tpu.memory_space<semaphore_mem>>)
    %dma_wait3A_170 = arith.constant 0 : i32
    %dma_wait3A_171 = arith.constant 0 : i32
    %dma_wait3A_172 = arith.constant 0 : i32
    %dma_wait3A_173 = tpu.memref_slice %arg8[%dma_wait3A_170, %dma_wait3A_171, %dma_wait3A_172] : memref<2x128x128xf32, #tpu.memory_space<vmem>> -> memref<1x128x128xf32, #tpu.memory_space<vmem>>
    %dma_wait3A_174 = tpu.memref_squeeze %dma_wait3A_173 : memref<1x128x128xf32, #tpu.memory_space<vmem>> -> memref<128x128xf32, #tpu.memory_space<vmem>>
    %dma_wait3A_175 = arith.constant 0 : i32
    %dma_wait3A_176 = tpu.memref_slice %arg5[%add3A_156, %dma_wait3A_175] : memref<12288x128xf32, #tpu.memory_space<hbm>> -> memref<128x128xf32, #tpu.memory_space<hbm>>
    %dma_wait3A_177 = arith.constant 0 : i32
    %dma_wait3A_178 = tpu.memref_slice %arg5[%add3A_156, %dma_wait3A_177] : memref<12288x128xf32, #tpu.memory_space<hbm>> -> memref<128x128xf32, #tpu.memory_space<hbm>>
    %dma_wait3A_179 = arith.constant 0 : i32
    %dma_wait3A_180 = arith.constant 0 : i32
    %dma_wait3A_181 = tpu.memref_slice %arg8[%dma_wait3A_170, %dma_wait3A_179, %dma_wait3A_180] : memref<2x128x128xf32, #tpu.memory_space<vmem>> -> memref<1x128x128xf32, #tpu.memory_space<vmem>>
    %dma_wait3A_182 = tpu.memref_squeeze %dma_wait3A_181 : memref<1x128x128xf32, #tpu.memory_space<vmem>> -> memref<128x128xf32, #tpu.memory_space<vmem>>
    tpu.wait_dma2 semaphore(%arg11 : memref<!tpu.dma_semaphore, #tpu.memory_space<semaphore_mem>>) src(%dma_wait3A_182 : memref<128x128xf32, #tpu.memory_space<vmem>>) dst(%dma_wait3A_178 : memref<128x128xf32, #tpu.memory_space<hbm>>)
    %dma_start3A_183 = arith.constant 1 : i32
    %dma_start3A_184 = arith.constant 0 : i32
    %dma_start3A_185 = arith.constant 0 : i32
    %dma_start3A_186 = arith.constant 0 : i32
    %dma_start3A_187 = tpu.memref_slice %arg8[%dma_start3A_184, %dma_start3A_185, %dma_start3A_186] : memref<2x128x128xf32, #tpu.memory_space<vmem>> -> memref<1x128x128xf32, #tpu.memory_space<vmem>>
    %dma_start3A_188 = tpu.memref_squeeze %dma_start3A_187 : memref<1x128x128xf32, #tpu.memory_space<vmem>> -> memref<128x128xf32, #tpu.memory_space<vmem>>
    %dma_start3A_189 = arith.constant 0 : i32
    %dma_start3A_190 = tpu.memref_slice %arg7[%dma_start3A_183, %dma_start3A_189] : memref<3x128xi32, #tpu.memory_space<vmem>> -> memref<1x128xi32, #tpu.memory_space<vmem>>
    %dma_start3A_191 = tpu.memref_squeeze %dma_start3A_190 : memref<1x128xi32, #tpu.memory_space<vmem>> -> memref<128xi32, #tpu.memory_space<vmem>>
    %dma_start3A_192 = arith.constant 0 : i32
    %dma_start3A_193 = arith.constant 0 : i32
    %dma_start3A_194 = tpu.memref_slice %arg3[%dma_start3A_192, %dma_start3A_193] : memref<100000x128xf32, #tpu.memory_space<hbm>> -> memref<100000x128xf32, #tpu.memory_space<hbm>>
    tpu.enqueue_indirect_dma source(%dma_start3A_194 : memref<100000x128xf32, #tpu.memory_space<hbm>>) target(%dma_start3A_188 : memref<128x128xf32, #tpu.memory_space<vmem>>) offsets(%dma_start3A_191 : memref<128xi32, #tpu.memory_space<vmem>>) semaphore(%arg9 : memref<!tpu.dma_semaphore, #tpu.memory_space<semaphore_mem>>)
    %dma_wait3A_195 = arith.constant 0 : i32
    %dma_wait3A_196 = arith.constant 1 : i32
    %dma_wait3A_197 = arith.constant 0 : i32
    %dma_wait3A_198 = arith.constant 0 : i32
    %dma_wait3A_199 = tpu.memref_slice %arg8[%dma_wait3A_196, %dma_wait3A_197, %dma_wait3A_198] : memref<2x128x128xf32, #tpu.memory_space<vmem>> -> memref<1x128x128xf32, #tpu.memory_space<vmem>>
    %dma_wait3A_200 = tpu.memref_squeeze %dma_wait3A_199 : memref<1x128x128xf32, #tpu.memory_space<vmem>> -> memref<128x128xf32, #tpu.memory_space<vmem>>
    %dma_wait3A_201 = arith.constant 0 : i32
    %dma_wait3A_202 = tpu.memref_slice %arg7[%dma_wait3A_195, %dma_wait3A_201] : memref<3x128xi32, #tpu.memory_space<vmem>> -> memref<1x128xi32, #tpu.memory_space<vmem>>
    %dma_wait3A_203 = tpu.memref_squeeze %dma_wait3A_202 : memref<1x128xi32, #tpu.memory_space<vmem>> -> memref<128xi32, #tpu.memory_space<vmem>>
    %dma_wait3A_204 = arith.constant 0 : i32
    %dma_wait3A_205 = arith.constant 0 : i32
    %dma_wait3A_206 = tpu.memref_slice %arg3[%dma_wait3A_204, %dma_wait3A_205] : memref<100000x128xf32, #tpu.memory_space<hbm>> -> memref<100000x128xf32, #tpu.memory_space<hbm>>
    tpu.wait_indirect_dma semaphore(%arg10 : memref<!tpu.dma_semaphore, #tpu.memory_space<semaphore_mem>>) src(%dma_wait3A_206 : memref<100000x128xf32, #tpu.memory_space<hbm>>) dst(%dma_wait3A_200 : memref<128x128xf32, #tpu.memory_space<vmem>>)
    %add3A_207 = arith.constant 0 : i32
    %add3A_208 = arith.addi %mul3A_2, %add3A_207 : i32
    %dma_start3A_209 = arith.constant 1 : i32
    %dma_start3A_210 = arith.constant 0 : i32
    %dma_start3A_211 = arith.constant 0 : i32
    %dma_start3A_212 = tpu.memref_slice %arg8[%dma_start3A_209, %dma_start3A_210, %dma_start3A_211] : memref<2x128x128xf32, #tpu.memory_space<vmem>> -> memref<1x128x128xf32, #tpu.memory_space<vmem>>
    %dma_start3A_213 = tpu.memref_squeeze %dma_start3A_212 : memref<1x128x128xf32, #tpu.memory_space<vmem>> -> memref<128x128xf32, #tpu.memory_space<vmem>>
    %dma_start3A_214 = arith.constant 0 : i32
    %dma_start3A_215 = tpu.memref_slice %arg6[%add3A_208, %dma_start3A_214] : memref<12288x128xf32, #tpu.memory_space<hbm>> -> memref<128x128xf32, #tpu.memory_space<hbm>>
    %dma_start3A_216 = arith.constant 0 : i32
    %dma_start3A_217 = tpu.memref_slice %arg6[%add3A_208, %dma_start3A_216] : memref<12288x128xf32, #tpu.memory_space<hbm>> -> memref<128x128xf32, #tpu.memory_space<hbm>>
    %dma_start3A_218 = arith.constant 0 : i32
    %dma_start3A_219 = arith.constant 0 : i32
    %dma_start3A_220 = tpu.memref_slice %arg8[%dma_start3A_209, %dma_start3A_218, %dma_start3A_219] : memref<2x128x128xf32, #tpu.memory_space<vmem>> -> memref<1x128x128xf32, #tpu.memory_space<vmem>>
    %dma_start3A_221 = tpu.memref_squeeze %dma_start3A_220 : memref<1x128x128xf32, #tpu.memory_space<vmem>> -> memref<128x128xf32, #tpu.memory_space<vmem>>
    tpu.enqueue_dma source(%dma_start3A_221 : memref<128x128xf32, #tpu.memory_space<vmem>>) target(%dma_start3A_217 : memref<128x128xf32, #tpu.memory_space<hbm>>) target_semaphore(%arg12 : memref<!tpu.dma_semaphore, #tpu.memory_space<semaphore_mem>>)
    %dma_wait3A_222 = arith.constant 1 : i32
    %dma_wait3A_223 = arith.constant 0 : i32
    %dma_wait3A_224 = arith.constant 0 : i32
    %dma_wait3A_225 = tpu.memref_slice %arg8[%dma_wait3A_222, %dma_wait3A_223, %dma_wait3A_224] : memref<2x128x128xf32, #tpu.memory_space<vmem>> -> memref<1x128x128xf32, #tpu.memory_space<vmem>>
    %dma_wait3A_226 = tpu.memref_squeeze %dma_wait3A_225 : memref<1x128x128xf32, #tpu.memory_space<vmem>> -> memref<128x128xf32, #tpu.memory_space<vmem>>
    %dma_wait3A_227 = arith.constant 0 : i32
    %dma_wait3A_228 = tpu.memref_slice %arg6[%add3A_208, %dma_wait3A_227] : memref<12288x128xf32, #tpu.memory_space<hbm>> -> memref<128x128xf32, #tpu.memory_space<hbm>>
    %dma_wait3A_229 = arith.constant 0 : i32
    %dma_wait3A_230 = tpu.memref_slice %arg6[%add3A_208, %dma_wait3A_229] : memref<12288x128xf32, #tpu.memory_space<hbm>> -> memref<128x128xf32, #tpu.memory_space<hbm>>
    %dma_wait3A_231 = arith.constant 0 : i32
    %dma_wait3A_232 = arith.constant 0 : i32
    %dma_wait3A_233 = tpu.memref_slice %arg8[%dma_wait3A_222, %dma_wait3A_231, %dma_wait3A_232] : memref<2x128x128xf32, #tpu.memory_space<vmem>> -> memref<1x128x128xf32, #tpu.memory_space<vmem>>
    %dma_wait3A_234 = tpu.memref_squeeze %dma_wait3A_233 : memref<1x128x128xf32, #tpu.memory_space<vmem>> -> memref<128x128xf32, #tpu.memory_space<vmem>>
    tpu.wait_dma2 semaphore(%arg12 : memref<!tpu.dma_semaphore, #tpu.memory_space<semaphore_mem>>) src(%dma_wait3A_234 : memref<128x128xf32, #tpu.memory_space<vmem>>) dst(%dma_wait3A_230 : memref<128x128xf32, #tpu.memory_space<hbm>>)
    %dma_start3A_235 = arith.constant 2 : i32
    %dma_start3A_236 = arith.constant 1 : i32
    %dma_start3A_237 = arith.constant 0 : i32
    %dma_start3A_238 = arith.constant 0 : i32
    %dma_start3A_239 = tpu.memref_slice %arg8[%dma_start3A_236, %dma_start3A_237, %dma_start3A_238] : memref<2x128x128xf32, #tpu.memory_space<vmem>> -> memref<1x128x128xf32, #tpu.memory_space<vmem>>
    %dma_start3A_240 = tpu.memref_squeeze %dma_start3A_239 : memref<1x128x128xf32, #tpu.memory_space<vmem>> -> memref<128x128xf32, #tpu.memory_space<vmem>>
    %dma_start3A_241 = arith.constant 0 : i32
    %dma_start3A_242 = tpu.memref_slice %arg7[%dma_start3A_235, %dma_start3A_241] : memref<3x128xi32, #tpu.memory_space<vmem>> -> memref<1x128xi32, #tpu.memory_space<vmem>>
    %dma_start3A_243 = tpu.memref_squeeze %dma_start3A_242 : memref<1x128xi32, #tpu.memory_space<vmem>> -> memref<128xi32, #tpu.memory_space<vmem>>
    %dma_start3A_244 = arith.constant 0 : i32
    %dma_start3A_245 = arith.constant 0 : i32
    %dma_start3A_246 = tpu.memref_slice %arg3[%dma_start3A_244, %dma_start3A_245] : memref<100000x128xf32, #tpu.memory_space<hbm>> -> memref<100000x128xf32, #tpu.memory_space<hbm>>
    tpu.enqueue_indirect_dma source(%dma_start3A_246 : memref<100000x128xf32, #tpu.memory_space<hbm>>) target(%dma_start3A_240 : memref<128x128xf32, #tpu.memory_space<vmem>>) offsets(%dma_start3A_243 : memref<128xi32, #tpu.memory_space<vmem>>) semaphore(%arg10 : memref<!tpu.dma_semaphore, #tpu.memory_space<semaphore_mem>>)
    %dma_wait3A_247 = arith.constant 1 : i32
    %dma_wait3A_248 = arith.constant 0 : i32
    %dma_wait3A_249 = arith.constant 0 : i32
    %dma_wait3A_250 = arith.constant 0 : i32
    %dma_wait3A_251 = tpu.memref_slice %arg8[%dma_wait3A_248, %dma_wait3A_249, %dma_wait3A_250] : memref<2x128x128xf32, #tpu.memory_space<vmem>> -> memref<1x128x128xf32, #tpu.memory_space<vmem>>
    %dma_wait3A_252 = tpu.memref_squeeze %dma_wait3A_251 : memref<1x128x128xf32, #tpu.memory_space<vmem>> -> memref<128x128xf32, #tpu.memory_space<vmem>>
    %dma_wait3A_253 = arith.constant 0 : i32
    %dma_wait3A_254 = tpu.memref_slice %arg7[%dma_wait3A_247, %dma_wait3A_253] : memref<3x128xi32, #tpu.memory_space<vmem>> -> memref<1x128xi32, #tpu.memory_space<vmem>>
    %dma_wait3A_255 = tpu.memref_squeeze %dma_wait3A_254 : memref<1x128xi32, #tpu.memory_space<vmem>> -> memref<128xi32, #tpu.memory_space<vmem>>
    %dma_wait3A_256 = arith.constant 0 : i32
    %dma_wait3A_257 = arith.constant 0 : i32
    %dma_wait3A_258 = tpu.memref_slice %arg3[%dma_wait3A_256, %dma_wait3A_257] : memref<100000x128xf32, #tpu.memory_space<hbm>> -> memref<100000x128xf32, #tpu.memory_space<hbm>>
    tpu.wait_indirect_dma semaphore(%arg9 : memref<!tpu.dma_semaphore, #tpu.memory_space<semaphore_mem>>) src(%dma_wait3A_258 : memref<100000x128xf32, #tpu.memory_space<hbm>>) dst(%dma_wait3A_252 : memref<128x128xf32, #tpu.memory_space<vmem>>)
    %add3A_259 = arith.constant 128 : i32
    %add3A_260 = arith.addi %mul3A_2, %add3A_259 : i32
    %dma_start3A_261 = arith.constant 0 : i32
    %dma_start3A_262 = arith.constant 0 : i32
    %dma_start3A_263 = arith.constant 0 : i32
    %dma_start3A_264 = tpu.memref_slice %arg8[%dma_start3A_261, %dma_start3A_262, %dma_start3A_263] : memref<2x128x128xf32, #tpu.memory_space<vmem>> -> memref<1x128x128xf32, #tpu.memory_space<vmem>>
    %dma_start3A_265 = tpu.memref_squeeze %dma_start3A_264 : memref<1x128x128xf32, #tpu.memory_space<vmem>> -> memref<128x128xf32, #tpu.memory_space<vmem>>
    %dma_start3A_266 = arith.constant 0 : i32
    %dma_start3A_267 = tpu.memref_slice %arg6[%add3A_260, %dma_start3A_266] : memref<12288x128xf32, #tpu.memory_space<hbm>> -> memref<128x128xf32, #tpu.memory_space<hbm>>
    %dma_start3A_268 = arith.constant 0 : i32
    %dma_start3A_269 = tpu.memref_slice %arg6[%add3A_260, %dma_start3A_268] : memref<12288x128xf32, #tpu.memory_space<hbm>> -> memref<128x128xf32, #tpu.memory_space<hbm>>
    %dma_start3A_270 = arith.constant 0 : i32
    %dma_start3A_271 = arith.constant 0 : i32
    %dma_start3A_272 = tpu.memref_slice %arg8[%dma_start3A_261, %dma_start3A_270, %dma_start3A_271] : memref<2x128x128xf32, #tpu.memory_space<vmem>> -> memref<1x128x128xf32, #tpu.memory_space<vmem>>
    %dma_start3A_273 = tpu.memref_squeeze %dma_start3A_272 : memref<1x128x128xf32, #tpu.memory_space<vmem>> -> memref<128x128xf32, #tpu.memory_space<vmem>>
    tpu.enqueue_dma source(%dma_start3A_273 : memref<128x128xf32, #tpu.memory_space<vmem>>) target(%dma_start3A_269 : memref<128x128xf32, #tpu.memory_space<hbm>>) target_semaphore(%arg11 : memref<!tpu.dma_semaphore, #tpu.memory_space<semaphore_mem>>)
    %dma_wait3A_274 = arith.constant 2 : i32
    %dma_wait3A_275 = arith.constant 1 : i32
    %dma_wait3A_276 = arith.constant 0 : i32
    %dma_wait3A_277 = arith.constant 0 : i32
    %dma_wait3A_278 = tpu.memref_slice %arg8[%dma_wait3A_275, %dma_wait3A_276, %dma_wait3A_277] : memref<2x128x128xf32, #tpu.memory_space<vmem>> -> memref<1x128x128xf32, #tpu.memory_space<vmem>>
    %dma_wait3A_279 = tpu.memref_squeeze %dma_wait3A_278 : memref<1x128x128xf32, #tpu.memory_space<vmem>> -> memref<128x128xf32, #tpu.memory_space<vmem>>
    %dma_wait3A_280 = arith.constant 0 : i32
    %dma_wait3A_281 = tpu.memref_slice %arg7[%dma_wait3A_274, %dma_wait3A_280] : memref<3x128xi32, #tpu.memory_space<vmem>> -> memref<1x128xi32, #tpu.memory_space<vmem>>
    %dma_wait3A_282 = tpu.memref_squeeze %dma_wait3A_281 : memref<1x128xi32, #tpu.memory_space<vmem>> -> memref<128xi32, #tpu.memory_space<vmem>>
    %dma_wait3A_283 = arith.constant 0 : i32
    %dma_wait3A_284 = arith.constant 0 : i32
    %dma_wait3A_285 = tpu.memref_slice %arg3[%dma_wait3A_283, %dma_wait3A_284] : memref<100000x128xf32, #tpu.memory_space<hbm>> -> memref<100000x128xf32, #tpu.memory_space<hbm>>
    tpu.wait_indirect_dma semaphore(%arg10 : memref<!tpu.dma_semaphore, #tpu.memory_space<semaphore_mem>>) src(%dma_wait3A_285 : memref<100000x128xf32, #tpu.memory_space<hbm>>) dst(%dma_wait3A_279 : memref<128x128xf32, #tpu.memory_space<vmem>>)
    %add3A_286 = arith.constant 256 : i32
    %add3A_287 = arith.addi %mul3A_2, %add3A_286 : i32
    %dma_start3A_288 = arith.constant 1 : i32
    %dma_start3A_289 = arith.constant 0 : i32
    %dma_start3A_290 = arith.constant 0 : i32
    %dma_start3A_291 = tpu.memref_slice %arg8[%dma_start3A_288, %dma_start3A_289, %dma_start3A_290] : memref<2x128x128xf32, #tpu.memory_space<vmem>> -> memref<1x128x128xf32, #tpu.memory_space<vmem>>
    %dma_start3A_292 = tpu.memref_squeeze %dma_start3A_291 : memref<1x128x128xf32, #tpu.memory_space<vmem>> -> memref<128x128xf32, #tpu.memory_space<vmem>>
    %dma_start3A_293 = arith.constant 0 : i32
    %dma_start3A_294 = tpu.memref_slice %arg6[%add3A_287, %dma_start3A_293] : memref<12288x128xf32, #tpu.memory_space<hbm>> -> memref<128x128xf32, #tpu.memory_space<hbm>>
    %dma_start3A_295 = arith.constant 0 : i32
    %dma_start3A_296 = tpu.memref_slice %arg6[%add3A_287, %dma_start3A_295] : memref<12288x128xf32, #tpu.memory_space<hbm>> -> memref<128x128xf32, #tpu.memory_space<hbm>>
    %dma_start3A_297 = arith.constant 0 : i32
    %dma_start3A_298 = arith.constant 0 : i32
    %dma_start3A_299 = tpu.memref_slice %arg8[%dma_start3A_288, %dma_start3A_297, %dma_start3A_298] : memref<2x128x128xf32, #tpu.memory_space<vmem>> -> memref<1x128x128xf32, #tpu.memory_space<vmem>>
    %dma_start3A_300 = tpu.memref_squeeze %dma_start3A_299 : memref<1x128x128xf32, #tpu.memory_space<vmem>> -> memref<128x128xf32, #tpu.memory_space<vmem>>
    tpu.enqueue_dma source(%dma_start3A_300 : memref<128x128xf32, #tpu.memory_space<vmem>>) target(%dma_start3A_296 : memref<128x128xf32, #tpu.memory_space<hbm>>) target_semaphore(%arg12 : memref<!tpu.dma_semaphore, #tpu.memory_space<semaphore_mem>>)
    %dma_wait3A_301 = arith.constant 0 : i32
    %dma_wait3A_302 = arith.constant 0 : i32
    %dma_wait3A_303 = arith.constant 0 : i32
    %dma_wait3A_304 = tpu.memref_slice %arg8[%dma_wait3A_301, %dma_wait3A_302, %dma_wait3A_303] : memref<2x128x128xf32, #tpu.memory_space<vmem>> -> memref<1x128x128xf32, #tpu.memory_space<vmem>>
    %dma_wait3A_305 = tpu.memref_squeeze %dma_wait3A_304 : memref<1x128x128xf32, #tpu.memory_space<vmem>> -> memref<128x128xf32, #tpu.memory_space<vmem>>
    %dma_wait3A_306 = arith.constant 0 : i32
    %dma_wait3A_307 = tpu.memref_slice %arg6[%add3A_260, %dma_wait3A_306] : memref<12288x128xf32, #tpu.memory_space<hbm>> -> memref<128x128xf32, #tpu.memory_space<hbm>>
    %dma_wait3A_308 = arith.constant 0 : i32
    %dma_wait3A_309 = tpu.memref_slice %arg6[%add3A_260, %dma_wait3A_308] : memref<12288x128xf32, #tpu.memory_space<hbm>> -> memref<128x128xf32, #tpu.memory_space<hbm>>
    %dma_wait3A_310 = arith.constant 0 : i32
    %dma_wait3A_311 = arith.constant 0 : i32
    %dma_wait3A_312 = tpu.memref_slice %arg8[%dma_wait3A_301, %dma_wait3A_310, %dma_wait3A_311] : memref<2x128x128xf32, #tpu.memory_space<vmem>> -> memref<1x128x128xf32, #tpu.memory_space<vmem>>
    %dma_wait3A_313 = tpu.memref_squeeze %dma_wait3A_312 : memref<1x128x128xf32, #tpu.memory_space<vmem>> -> memref<128x128xf32, #tpu.memory_space<vmem>>
    tpu.wait_dma2 semaphore(%arg11 : memref<!tpu.dma_semaphore, #tpu.memory_space<semaphore_mem>>) src(%dma_wait3A_313 : memref<128x128xf32, #tpu.memory_space<vmem>>) dst(%dma_wait3A_309 : memref<128x128xf32, #tpu.memory_space<hbm>>)
    %dma_wait3A_314 = arith.constant 1 : i32
    %dma_wait3A_315 = arith.constant 0 : i32
    %dma_wait3A_316 = arith.constant 0 : i32
    %dma_wait3A_317 = tpu.memref_slice %arg8[%dma_wait3A_314, %dma_wait3A_315, %dma_wait3A_316] : memref<2x128x128xf32, #tpu.memory_space<vmem>> -> memref<1x128x128xf32, #tpu.memory_space<vmem>>
    %dma_wait3A_318 = tpu.memref_squeeze %dma_wait3A_317 : memref<1x128x128xf32, #tpu.memory_space<vmem>> -> memref<128x128xf32, #tpu.memory_space<vmem>>
    %dma_wait3A_319 = arith.constant 0 : i32
    %dma_wait3A_320 = tpu.memref_slice %arg6[%add3A_287, %dma_wait3A_319] : memref<12288x128xf32, #tpu.memory_space<hbm>> -> memref<128x128xf32, #tpu.memory_space<hbm>>
    %dma_wait3A_321 = arith.constant 0 : i32
    %dma_wait3A_322 = tpu.memref_slice %arg6[%add3A_287, %dma_wait3A_321] : memref<12288x128xf32, #tpu.memory_space<hbm>> -> memref<128x128xf32, #tpu.memory_space<hbm>>
    %dma_wait3A_323 = arith.constant 0 : i32
    %dma_wait3A_324 = arith.constant 0 : i32
    %dma_wait3A_325 = tpu.memref_slice %arg8[%dma_wait3A_314, %dma_wait3A_323, %dma_wait3A_324] : memref<2x128x128xf32, #tpu.memory_space<vmem>> -> memref<1x128x128xf32, #tpu.memory_space<vmem>>
    %dma_wait3A_326 = tpu.memref_squeeze %dma_wait3A_325 : memref<1x128x128xf32, #tpu.memory_space<vmem>> -> memref<128x128xf32, #tpu.memory_space<vmem>>
    tpu.wait_dma2 semaphore(%arg12 : memref<!tpu.dma_semaphore, #tpu.memory_space<semaphore_mem>>) src(%dma_wait3A_326 : memref<128x128xf32, #tpu.memory_space<vmem>>) dst(%dma_wait3A_322 : memref<128x128xf32, #tpu.memory_space<hbm>>)
    return
  }
}

#map = affine_map<(d0, d1) -> (0, 0)>
#map1 = affine_map<(d0, d1) -> (0)>
module attributes {stable_mosaic.version = 14 : i64} {
  func.func @_sc_rowgather_body(%arg0: i32, %arg1: i32, %arg2: memref<100000x128xf32, #tpu.memory_space<hbm>>, %arg3: memref<100000x128xf32, #tpu.memory_space<hbm>>, %arg4: memref<16384xi32, #tpu.memory_space<hbm>>, %arg5: memref<4096x128xf32, #tpu.memory_space<hbm>>, %arg6: memref<4096x128xf32, #tpu.memory_space<hbm>>, %arg7: memref<1x128xi32, #tpu.memory_space<vmem>>, %arg8: memref<2x128x128xf32, #tpu.memory_space<vmem>>, %arg9: memref<!tpu.dma_semaphore, #tpu.memory_space<semaphore_mem>>, %arg10: memref<!tpu.dma_semaphore, #tpu.memory_space<semaphore_mem>>, %arg11: memref<!tpu.dma_semaphore, #tpu.memory_space<semaphore_mem>>, %arg12: memref<!tpu.dma_semaphore, #tpu.memory_space<semaphore_mem>>) attributes {dimension_semantics = [#tpu.dimension_semantics<core_parallel>, #tpu.dimension_semantics<subcore_parallel>], iteration_bounds = array<i64: 2, 16>, scalar_prefetch = 0 : i64, scratch_operands = 6 : i64, tpu.core_type = #tpu.core_type<sc_vector_subcore>, window_params = [{transform_indices = #map}, {transform_indices = #map}, {transform_indices = #map1}, {transform_indices = #map}, {transform_indices = #map}]} {
    %mul3A = arith.constant 2 : i32
    %mul3A_0 = arith.muli %arg1, %mul3A : i32
    %add3A = arith.addi %mul3A_0, %arg0 : i32
    %mul3A_1 = arith.constant 128 : i32
    %mul3A_2 = arith.muli %add3A, %mul3A_1 : i32
    %add3A_3 = arith.constant 12288 : i32
    %add3A_4 = arith.addi %add3A_3, %mul3A_2 : i32
    %add3A_5 = arith.constant 0 : i32
    %add3A_6 = arith.addi %add3A_4, %add3A_5 : i32
    %run_scoped3A = arith.constant 0 : i32
    "tpu.region"() ({
      %run_scoped3A_109 = tpu.sem_alloc : memref<!tpu.dma_semaphore, #tpu.memory_space<semaphore_mem>>
      %dma_start3A_110 = arith.constant 0 : i32
      %dma_start3A_111 = tpu.memref_slice %arg7[%run_scoped3A, %dma_start3A_110] : memref<1x128xi32, #tpu.memory_space<vmem>> -> memref<1x128xi32, #tpu.memory_space<vmem>>
      %dma_start3A_112 = tpu.memref_squeeze %dma_start3A_111 : memref<1x128xi32, #tpu.memory_space<vmem>> -> memref<128xi32, #tpu.memory_space<vmem>>
      %dma_start3A_113 = tpu.memref_slice %arg4[%add3A_6] : memref<16384xi32, #tpu.memory_space<hbm>> -> memref<128xi32, #tpu.memory_space<hbm>>
      %dma_start3A_114 = arith.constant 0 : i32
      %dma_start3A_115 = tpu.memref_slice %arg7[%run_scoped3A, %dma_start3A_114] : memref<1x128xi32, #tpu.memory_space<vmem>> -> memref<1x128xi32, #tpu.memory_space<vmem>>
      %dma_start3A_116 = tpu.memref_squeeze %dma_start3A_115 : memref<1x128xi32, #tpu.memory_space<vmem>> -> memref<128xi32, #tpu.memory_space<vmem>>
      %dma_start3A_117 = tpu.memref_slice %arg4[%add3A_6] : memref<16384xi32, #tpu.memory_space<hbm>> -> memref<128xi32, #tpu.memory_space<hbm>>
      tpu.enqueue_dma source(%dma_start3A_117 : memref<128xi32, #tpu.memory_space<hbm>>) target(%dma_start3A_116 : memref<128xi32, #tpu.memory_space<vmem>>) target_semaphore(%run_scoped3A_109 : memref<!tpu.dma_semaphore, #tpu.memory_space<semaphore_mem>>)
      %dma_wait3A_118 = arith.constant 0 : i32
      %dma_wait3A_119 = tpu.memref_slice %arg7[%run_scoped3A, %dma_wait3A_118] : memref<1x128xi32, #tpu.memory_space<vmem>> -> memref<1x128xi32, #tpu.memory_space<vmem>>
      %dma_wait3A_120 = tpu.memref_squeeze %dma_wait3A_119 : memref<1x128xi32, #tpu.memory_space<vmem>> -> memref<128xi32, #tpu.memory_space<vmem>>
      %dma_wait3A_121 = tpu.memref_slice %arg4[%add3A_6] : memref<16384xi32, #tpu.memory_space<hbm>> -> memref<128xi32, #tpu.memory_space<hbm>>
      %dma_wait3A_122 = arith.constant 0 : i32
      %dma_wait3A_123 = tpu.memref_slice %arg7[%run_scoped3A, %dma_wait3A_122] : memref<1x128xi32, #tpu.memory_space<vmem>> -> memref<1x128xi32, #tpu.memory_space<vmem>>
      %dma_wait3A_124 = tpu.memref_squeeze %dma_wait3A_123 : memref<1x128xi32, #tpu.memory_space<vmem>> -> memref<128xi32, #tpu.memory_space<vmem>>
      %dma_wait3A_125 = tpu.memref_slice %arg4[%add3A_6] : memref<16384xi32, #tpu.memory_space<hbm>> -> memref<128xi32, #tpu.memory_space<hbm>>
      tpu.wait_dma2 semaphore(%run_scoped3A_109 : memref<!tpu.dma_semaphore, #tpu.memory_space<semaphore_mem>>) src(%dma_wait3A_125 : memref<128xi32, #tpu.memory_space<hbm>>) dst(%dma_wait3A_124 : memref<128xi32, #tpu.memory_space<vmem>>)
      tpu.yield
    }) : () -> ()
    %dma_start3A = arith.constant 0 : i32
    %dma_start3A_7 = arith.constant 0 : i32
    %dma_start3A_8 = arith.constant 0 : i32
    %dma_start3A_9 = arith.constant 0 : i32
    %dma_start3A_10 = tpu.memref_slice %arg8[%dma_start3A_7, %dma_start3A_8, %dma_start3A_9] : memref<2x128x128xf32, #tpu.memory_space<vmem>> -> memref<1x128x128xf32, #tpu.memory_space<vmem>>
    %dma_start3A_11 = tpu.memref_squeeze %dma_start3A_10 : memref<1x128x128xf32, #tpu.memory_space<vmem>> -> memref<128x128xf32, #tpu.memory_space<vmem>>
    %dma_start3A_12 = arith.constant 0 : i32
    %dma_start3A_13 = tpu.memref_slice %arg7[%dma_start3A, %dma_start3A_12] : memref<1x128xi32, #tpu.memory_space<vmem>> -> memref<1x128xi32, #tpu.memory_space<vmem>>
    %dma_start3A_14 = tpu.memref_squeeze %dma_start3A_13 : memref<1x128xi32, #tpu.memory_space<vmem>> -> memref<128xi32, #tpu.memory_space<vmem>>
    %dma_start3A_15 = arith.constant 0 : i32
    %dma_start3A_16 = arith.constant 0 : i32
    %dma_start3A_17 = tpu.memref_slice %arg2[%dma_start3A_15, %dma_start3A_16] : memref<100000x128xf32, #tpu.memory_space<hbm>> -> memref<100000x128xf32, #tpu.memory_space<hbm>>
    tpu.enqueue_indirect_dma source(%dma_start3A_17 : memref<100000x128xf32, #tpu.memory_space<hbm>>) target(%dma_start3A_11 : memref<128x128xf32, #tpu.memory_space<vmem>>) offsets(%dma_start3A_14 : memref<128xi32, #tpu.memory_space<vmem>>) semaphore(%arg9 : memref<!tpu.dma_semaphore, #tpu.memory_space<semaphore_mem>>)
    %dma_start3A_18 = arith.constant 0 : i32
    %dma_start3A_19 = arith.constant 1 : i32
    %dma_start3A_20 = arith.constant 0 : i32
    %dma_start3A_21 = arith.constant 0 : i32
    %dma_start3A_22 = tpu.memref_slice %arg8[%dma_start3A_19, %dma_start3A_20, %dma_start3A_21] : memref<2x128x128xf32, #tpu.memory_space<vmem>> -> memref<1x128x128xf32, #tpu.memory_space<vmem>>
    %dma_start3A_23 = tpu.memref_squeeze %dma_start3A_22 : memref<1x128x128xf32, #tpu.memory_space<vmem>> -> memref<128x128xf32, #tpu.memory_space<vmem>>
    %dma_start3A_24 = arith.constant 0 : i32
    %dma_start3A_25 = tpu.memref_slice %arg7[%dma_start3A_18, %dma_start3A_24] : memref<1x128xi32, #tpu.memory_space<vmem>> -> memref<1x128xi32, #tpu.memory_space<vmem>>
    %dma_start3A_26 = tpu.memref_squeeze %dma_start3A_25 : memref<1x128xi32, #tpu.memory_space<vmem>> -> memref<128xi32, #tpu.memory_space<vmem>>
    %dma_start3A_27 = arith.constant 0 : i32
    %dma_start3A_28 = arith.constant 0 : i32
    %dma_start3A_29 = tpu.memref_slice %arg3[%dma_start3A_27, %dma_start3A_28] : memref<100000x128xf32, #tpu.memory_space<hbm>> -> memref<100000x128xf32, #tpu.memory_space<hbm>>
    tpu.enqueue_indirect_dma source(%dma_start3A_29 : memref<100000x128xf32, #tpu.memory_space<hbm>>) target(%dma_start3A_23 : memref<128x128xf32, #tpu.memory_space<vmem>>) offsets(%dma_start3A_26 : memref<128xi32, #tpu.memory_space<vmem>>) semaphore(%arg10 : memref<!tpu.dma_semaphore, #tpu.memory_space<semaphore_mem>>)
    %dma_wait3A = arith.constant 0 : i32
    %dma_wait3A_30 = arith.constant 0 : i32
    %dma_wait3A_31 = arith.constant 0 : i32
    %dma_wait3A_32 = arith.constant 0 : i32
    %dma_wait3A_33 = tpu.memref_slice %arg8[%dma_wait3A_30, %dma_wait3A_31, %dma_wait3A_32] : memref<2x128x128xf32, #tpu.memory_space<vmem>> -> memref<1x128x128xf32, #tpu.memory_space<vmem>>
    %dma_wait3A_34 = tpu.memref_squeeze %dma_wait3A_33 : memref<1x128x128xf32, #tpu.memory_space<vmem>> -> memref<128x128xf32, #tpu.memory_space<vmem>>
    %dma_wait3A_35 = arith.constant 0 : i32
    %dma_wait3A_36 = tpu.memref_slice %arg7[%dma_wait3A, %dma_wait3A_35] : memref<1x128xi32, #tpu.memory_space<vmem>> -> memref<1x128xi32, #tpu.memory_space<vmem>>
    %dma_wait3A_37 = tpu.memref_squeeze %dma_wait3A_36 : memref<1x128xi32, #tpu.memory_space<vmem>> -> memref<128xi32, #tpu.memory_space<vmem>>
    %dma_wait3A_38 = arith.constant 0 : i32
    %dma_wait3A_39 = arith.constant 0 : i32
    %dma_wait3A_40 = tpu.memref_slice %arg2[%dma_wait3A_38, %dma_wait3A_39] : memref<100000x128xf32, #tpu.memory_space<hbm>> -> memref<100000x128xf32, #tpu.memory_space<hbm>>
    tpu.wait_indirect_dma semaphore(%arg9 : memref<!tpu.dma_semaphore, #tpu.memory_space<semaphore_mem>>) src(%dma_wait3A_40 : memref<100000x128xf32, #tpu.memory_space<hbm>>) dst(%dma_wait3A_34 : memref<128x128xf32, #tpu.memory_space<vmem>>)
    %add3A_41 = arith.constant 0 : i32
    %add3A_42 = arith.addi %mul3A_2, %add3A_41 : i32
    %dma_start3A_43 = arith.constant 0 : i32
    %dma_start3A_44 = arith.constant 0 : i32
    %dma_start3A_45 = arith.constant 0 : i32
    %dma_start3A_46 = tpu.memref_slice %arg8[%dma_start3A_43, %dma_start3A_44, %dma_start3A_45] : memref<2x128x128xf32, #tpu.memory_space<vmem>> -> memref<1x128x128xf32, #tpu.memory_space<vmem>>
    %dma_start3A_47 = tpu.memref_squeeze %dma_start3A_46 : memref<1x128x128xf32, #tpu.memory_space<vmem>> -> memref<128x128xf32, #tpu.memory_space<vmem>>
    %dma_start3A_48 = arith.constant 0 : i32
    %dma_start3A_49 = tpu.memref_slice %arg5[%add3A_42, %dma_start3A_48] : memref<4096x128xf32, #tpu.memory_space<hbm>> -> memref<128x128xf32, #tpu.memory_space<hbm>>
    %dma_start3A_50 = arith.constant 0 : i32
    %dma_start3A_51 = tpu.memref_slice %arg5[%add3A_42, %dma_start3A_50] : memref<4096x128xf32, #tpu.memory_space<hbm>> -> memref<128x128xf32, #tpu.memory_space<hbm>>
    %dma_start3A_52 = arith.constant 0 : i32
    %dma_start3A_53 = arith.constant 0 : i32
    %dma_start3A_54 = tpu.memref_slice %arg8[%dma_start3A_43, %dma_start3A_52, %dma_start3A_53] : memref<2x128x128xf32, #tpu.memory_space<vmem>> -> memref<1x128x128xf32, #tpu.memory_space<vmem>>
    %dma_start3A_55 = tpu.memref_squeeze %dma_start3A_54 : memref<1x128x128xf32, #tpu.memory_space<vmem>> -> memref<128x128xf32, #tpu.memory_space<vmem>>
    tpu.enqueue_dma source(%dma_start3A_55 : memref<128x128xf32, #tpu.memory_space<vmem>>) target(%dma_start3A_51 : memref<128x128xf32, #tpu.memory_space<hbm>>) target_semaphore(%arg11 : memref<!tpu.dma_semaphore, #tpu.memory_space<semaphore_mem>>)
    %dma_wait3A_56 = arith.constant 0 : i32
    %dma_wait3A_57 = arith.constant 1 : i32
    %dma_wait3A_58 = arith.constant 0 : i32
    %dma_wait3A_59 = arith.constant 0 : i32
    %dma_wait3A_60 = tpu.memref_slice %arg8[%dma_wait3A_57, %dma_wait3A_58, %dma_wait3A_59] : memref<2x128x128xf32, #tpu.memory_space<vmem>> -> memref<1x128x128xf32, #tpu.memory_space<vmem>>
    %dma_wait3A_61 = tpu.memref_squeeze %dma_wait3A_60 : memref<1x128x128xf32, #tpu.memory_space<vmem>> -> memref<128x128xf32, #tpu.memory_space<vmem>>
    %dma_wait3A_62 = arith.constant 0 : i32
    %dma_wait3A_63 = tpu.memref_slice %arg7[%dma_wait3A_56, %dma_wait3A_62] : memref<1x128xi32, #tpu.memory_space<vmem>> -> memref<1x128xi32, #tpu.memory_space<vmem>>
    %dma_wait3A_64 = tpu.memref_squeeze %dma_wait3A_63 : memref<1x128xi32, #tpu.memory_space<vmem>> -> memref<128xi32, #tpu.memory_space<vmem>>
    %dma_wait3A_65 = arith.constant 0 : i32
    %dma_wait3A_66 = arith.constant 0 : i32
    %dma_wait3A_67 = tpu.memref_slice %arg3[%dma_wait3A_65, %dma_wait3A_66] : memref<100000x128xf32, #tpu.memory_space<hbm>> -> memref<100000x128xf32, #tpu.memory_space<hbm>>
    tpu.wait_indirect_dma semaphore(%arg10 : memref<!tpu.dma_semaphore, #tpu.memory_space<semaphore_mem>>) src(%dma_wait3A_67 : memref<100000x128xf32, #tpu.memory_space<hbm>>) dst(%dma_wait3A_61 : memref<128x128xf32, #tpu.memory_space<vmem>>)
    %add3A_68 = arith.constant 0 : i32
    %add3A_69 = arith.addi %mul3A_2, %add3A_68 : i32
    %dma_start3A_70 = arith.constant 1 : i32
    %dma_start3A_71 = arith.constant 0 : i32
    %dma_start3A_72 = arith.constant 0 : i32
    %dma_start3A_73 = tpu.memref_slice %arg8[%dma_start3A_70, %dma_start3A_71, %dma_start3A_72] : memref<2x128x128xf32, #tpu.memory_space<vmem>> -> memref<1x128x128xf32, #tpu.memory_space<vmem>>
    %dma_start3A_74 = tpu.memref_squeeze %dma_start3A_73 : memref<1x128x128xf32, #tpu.memory_space<vmem>> -> memref<128x128xf32, #tpu.memory_space<vmem>>
    %dma_start3A_75 = arith.constant 0 : i32
    %dma_start3A_76 = tpu.memref_slice %arg6[%add3A_69, %dma_start3A_75] : memref<4096x128xf32, #tpu.memory_space<hbm>> -> memref<128x128xf32, #tpu.memory_space<hbm>>
    %dma_start3A_77 = arith.constant 0 : i32
    %dma_start3A_78 = tpu.memref_slice %arg6[%add3A_69, %dma_start3A_77] : memref<4096x128xf32, #tpu.memory_space<hbm>> -> memref<128x128xf32, #tpu.memory_space<hbm>>
    %dma_start3A_79 = arith.constant 0 : i32
    %dma_start3A_80 = arith.constant 0 : i32
    %dma_start3A_81 = tpu.memref_slice %arg8[%dma_start3A_70, %dma_start3A_79, %dma_start3A_80] : memref<2x128x128xf32, #tpu.memory_space<vmem>> -> memref<1x128x128xf32, #tpu.memory_space<vmem>>
    %dma_start3A_82 = tpu.memref_squeeze %dma_start3A_81 : memref<1x128x128xf32, #tpu.memory_space<vmem>> -> memref<128x128xf32, #tpu.memory_space<vmem>>
    tpu.enqueue_dma source(%dma_start3A_82 : memref<128x128xf32, #tpu.memory_space<vmem>>) target(%dma_start3A_78 : memref<128x128xf32, #tpu.memory_space<hbm>>) target_semaphore(%arg12 : memref<!tpu.dma_semaphore, #tpu.memory_space<semaphore_mem>>)
    %dma_wait3A_83 = arith.constant 0 : i32
    %dma_wait3A_84 = arith.constant 0 : i32
    %dma_wait3A_85 = arith.constant 0 : i32
    %dma_wait3A_86 = tpu.memref_slice %arg8[%dma_wait3A_83, %dma_wait3A_84, %dma_wait3A_85] : memref<2x128x128xf32, #tpu.memory_space<vmem>> -> memref<1x128x128xf32, #tpu.memory_space<vmem>>
    %dma_wait3A_87 = tpu.memref_squeeze %dma_wait3A_86 : memref<1x128x128xf32, #tpu.memory_space<vmem>> -> memref<128x128xf32, #tpu.memory_space<vmem>>
    %dma_wait3A_88 = arith.constant 0 : i32
    %dma_wait3A_89 = tpu.memref_slice %arg5[%add3A_42, %dma_wait3A_88] : memref<4096x128xf32, #tpu.memory_space<hbm>> -> memref<128x128xf32, #tpu.memory_space<hbm>>
    %dma_wait3A_90 = arith.constant 0 : i32
    %dma_wait3A_91 = tpu.memref_slice %arg5[%add3A_42, %dma_wait3A_90] : memref<4096x128xf32, #tpu.memory_space<hbm>> -> memref<128x128xf32, #tpu.memory_space<hbm>>
    %dma_wait3A_92 = arith.constant 0 : i32
    %dma_wait3A_93 = arith.constant 0 : i32
    %dma_wait3A_94 = tpu.memref_slice %arg8[%dma_wait3A_83, %dma_wait3A_92, %dma_wait3A_93] : memref<2x128x128xf32, #tpu.memory_space<vmem>> -> memref<1x128x128xf32, #tpu.memory_space<vmem>>
    %dma_wait3A_95 = tpu.memref_squeeze %dma_wait3A_94 : memref<1x128x128xf32, #tpu.memory_space<vmem>> -> memref<128x128xf32, #tpu.memory_space<vmem>>
    tpu.wait_dma2 semaphore(%arg11 : memref<!tpu.dma_semaphore, #tpu.memory_space<semaphore_mem>>) src(%dma_wait3A_95 : memref<128x128xf32, #tpu.memory_space<vmem>>) dst(%dma_wait3A_91 : memref<128x128xf32, #tpu.memory_space<hbm>>)
    %dma_wait3A_96 = arith.constant 1 : i32
    %dma_wait3A_97 = arith.constant 0 : i32
    %dma_wait3A_98 = arith.constant 0 : i32
    %dma_wait3A_99 = tpu.memref_slice %arg8[%dma_wait3A_96, %dma_wait3A_97, %dma_wait3A_98] : memref<2x128x128xf32, #tpu.memory_space<vmem>> -> memref<1x128x128xf32, #tpu.memory_space<vmem>>
    %dma_wait3A_100 = tpu.memref_squeeze %dma_wait3A_99 : memref<1x128x128xf32, #tpu.memory_space<vmem>> -> memref<128x128xf32, #tpu.memory_space<vmem>>
    %dma_wait3A_101 = arith.constant 0 : i32
    %dma_wait3A_102 = tpu.memref_slice %arg6[%add3A_69, %dma_wait3A_101] : memref<4096x128xf32, #tpu.memory_space<hbm>> -> memref<128x128xf32, #tpu.memory_space<hbm>>
    %dma_wait3A_103 = arith.constant 0 : i32
    %dma_wait3A_104 = tpu.memref_slice %arg6[%add3A_69, %dma_wait3A_103] : memref<4096x128xf32, #tpu.memory_space<hbm>> -> memref<128x128xf32, #tpu.memory_space<hbm>>
    %dma_wait3A_105 = arith.constant 0 : i32
    %dma_wait3A_106 = arith.constant 0 : i32
    %dma_wait3A_107 = tpu.memref_slice %arg8[%dma_wait3A_96, %dma_wait3A_105, %dma_wait3A_106] : memref<2x128x128xf32, #tpu.memory_space<vmem>> -> memref<1x128x128xf32, #tpu.memory_space<vmem>>
    %dma_wait3A_108 = tpu.memref_squeeze %dma_wait3A_107 : memref<1x128x128xf32, #tpu.memory_space<vmem>> -> memref<128x128xf32, #tpu.memory_space<vmem>>
    tpu.wait_dma2 semaphore(%arg12 : memref<!tpu.dma_semaphore, #tpu.memory_space<semaphore_mem>>) src(%dma_wait3A_108 : memref<128x128xf32, #tpu.memory_space<vmem>>) dst(%dma_wait3A_104 : memref<128x128xf32, #tpu.memory_space<hbm>>)
    return
  }
}

module attributes {stable_mosaic.version = 14 : i64} {
  func.func @_tc_transpose_body2(%arg0: i32, %arg1: memref<128x16384xf32, #tpu.memory_space<hbm>>, %arg2: memref<128x16384xf32, #tpu.memory_space<hbm>>, %arg3: memref<2048x128xf32, #tpu.memory_space<vmem>>, %arg4: memref<2048x128xf32, #tpu.memory_space<vmem>>, %arg5: memref<128x2048xf32, #tpu.memory_space<vmem>>, %arg6: memref<128x2048xf32, #tpu.memory_space<vmem>>) attributes {dimension_semantics = [#tpu.dimension_semantics<arbitrary>], iteration_bounds = array<i64: 2>, scalar_prefetch = 0 : i64, scratch_operands = 0 : i64, tpu.core_type = #tpu.core_type<tc>, window_params = [{}, {}, {transform_indices = @transform_2, window_bounds = array<i64: 2048, 128>}, {transform_indices = @transform_3, window_bounds = array<i64: 2048, 128>}, {transform_indices = @transform_4, window_bounds = array<i64: 128, 2048>}, {transform_indices = @transform_5, window_bounds = array<i64: 128, 2048>}]} {
    %get3A = arith.constant 0 : index
    %get3A_0 = arith.constant 0 : index
    %get3A_1 = vector.load %arg3[%get3A, %get3A_0] : memref<2048x128xf32, #tpu.memory_space<vmem>>, vector<2048x128xf32>
    %transpose3A = tpu.transpose %get3A_1, [1, 0] : vector<2048x128xf32> -> vector<128x2048xf32>
    %swap3A = arith.constant 0 : index
    %swap3A_2 = arith.constant 0 : index
    %swap3A_3 = vector.load %arg5[%swap3A, %swap3A_2] : memref<128x2048xf32, #tpu.memory_space<vmem>>, vector<128x2048xf32>
    tpu.vector_store %arg5[%swap3A, %swap3A_2], %transpose3A {strides = array<i32>} : memref<128x2048xf32, #tpu.memory_space<vmem>>, vector<128x2048xf32>,
    %get3A_4 = arith.constant 0 : index
    %get3A_5 = arith.constant 0 : index
    %get3A_6 = vector.load %arg4[%get3A_4, %get3A_5] : memref<2048x128xf32, #tpu.memory_space<vmem>>, vector<2048x128xf32>
    %transpose3A_7 = tpu.transpose %get3A_6, [1, 0] : vector<2048x128xf32> -> vector<128x2048xf32>
    %swap3A_8 = arith.constant 0 : index
    %swap3A_9 = arith.constant 0 : index
    %swap3A_10 = vector.load %arg6[%swap3A_8, %swap3A_9] : memref<128x2048xf32, #tpu.memory_space<vmem>>, vector<128x2048xf32>
    tpu.vector_store %arg6[%swap3A_8, %swap3A_9], %transpose3A_7 {strides = array<i32>} : memref<128x2048xf32, #tpu.memory_space<vmem>>, vector<128x2048xf32>,
    return
  }
  func.func @transform_2(%arg0: i32) -> (i32, i32) {
    %c0_i32 = arith.constant 0 : i32
    %c0_i32_0 = arith.constant 0 : i32
    return %arg0, %c0_i32 : i32, i32
  }
  func.func @transform_3(%arg0: i32) -> (i32, i32) {
    %c0_i32 = arith.constant 0 : i32
    %c0_i32_0 = arith.constant 0 : i32
    return %arg0, %c0_i32 : i32, i32
  }
  func.func @transform_4(%arg0: i32) -> (i32, i32) {
    %add3A = arith.constant 6 : i32
    %add3A_0 = arith.addi %add3A, %arg0 : i32
    %c0_i32 = arith.constant 0 : i32
    %c0_i32_1 = arith.constant 0 : i32
    return %c0_i32, %add3A_0 : i32, i32
  }
  func.func @transform_5(%arg0: i32) -> (i32, i32) {
    %add3A = arith.constant 6 : i32
    %add3A_0 = arith.addi %add3A, %arg0 : i32
    %c0_i32 = arith.constant 0 : i32
    %c0_i32_1 = arith.constant 0 : i32
    return %c0_i32, %add3A_0 : i32, i32
  }
}

module attributes {stable_mosaic.version = 14 : i64} {
  func.func @_tc_transpose_body(%arg0: i32, %arg1: memref<2048x128xf32, #tpu.memory_space<vmem>>, %arg2: memref<2048x128xf32, #tpu.memory_space<vmem>>, %arg3: memref<128x2048xf32, #tpu.memory_space<vmem>>, %arg4: memref<128x2048xf32, #tpu.memory_space<vmem>>) attributes {dimension_semantics = [#tpu.dimension_semantics<arbitrary>], iteration_bounds = array<i64: 6>, scalar_prefetch = 0 : i64, scratch_operands = 0 : i64, tpu.core_type = #tpu.core_type<tc>, window_params = [{transform_indices = @transform_0, window_bounds = array<i64: 2048, 128>}, {transform_indices = @transform_1, window_bounds = array<i64: 2048, 128>}, {transform_indices = @transform_2, window_bounds = array<i64: 128, 2048>}, {transform_indices = @transform_3, window_bounds = array<i64: 128, 2048>}]} {
    %get3A = arith.constant 0 : index
    %get3A_0 = arith.constant 0 : index
    %get3A_1 = vector.load %arg1[%get3A, %get3A_0] : memref<2048x128xf32, #tpu.memory_space<vmem>>, vector<2048x128xf32>
    %transpose3A = tpu.transpose %get3A_1, [1, 0] : vector<2048x128xf32> -> vector<128x2048xf32>
    %swap3A = arith.constant 0 : index
    %swap3A_2 = arith.constant 0 : index
    %swap3A_3 = vector.load %arg3[%swap3A, %swap3A_2] : memref<128x2048xf32, #tpu.memory_space<vmem>>, vector<128x2048xf32>
    tpu.vector_store %arg3[%swap3A, %swap3A_2], %transpose3A {strides = array<i32>} : memref<128x2048xf32, #tpu.memory_space<vmem>>, vector<128x2048xf32>,
    %get3A_4 = arith.constant 0 : index
    %get3A_5 = arith.constant 0 : index
    %get3A_6 = vector.load %arg2[%get3A_4, %get3A_5] : memref<2048x128xf32, #tpu.memory_space<vmem>>, vector<2048x128xf32>
    %transpose3A_7 = tpu.transpose %get3A_6, [1, 0] : vector<2048x128xf32> -> vector<128x2048xf32>
    %swap3A_8 = arith.constant 0 : index
    %swap3A_9 = arith.constant 0 : index
    %swap3A_10 = vector.load %arg4[%swap3A_8, %swap3A_9] : memref<128x2048xf32, #tpu.memory_space<vmem>>, vector<128x2048xf32>
    tpu.vector_store %arg4[%swap3A_8, %swap3A_9], %transpose3A_7 {strides = array<i32>} : memref<128x2048xf32, #tpu.memory_space<vmem>>, vector<128x2048xf32>,
    return
  }
  func.func @transform_0(%arg0: i32) -> (i32, i32) {
    %c0_i32 = arith.constant 0 : i32
    %c0_i32_0 = arith.constant 0 : i32
    return %arg0, %c0_i32 : i32, i32
  }
  func.func @transform_1(%arg0: i32) -> (i32, i32) {
    %c0_i32 = arith.constant 0 : i32
    %c0_i32_0 = arith.constant 0 : i32
    return %arg0, %c0_i32 : i32, i32
  }
  func.func @transform_2(%arg0: i32) -> (i32, i32) {
    %c0_i32 = arith.constant 0 : i32
    %c0_i32_0 = arith.constant 0 : i32
    return %c0_i32, %arg0 : i32, i32
  }
  func.func @transform_3(%arg0: i32) -> (i32, i32) {
    %c0_i32 = arith.constant 0 : i32
    %c0_i32_0 = arith.constant 0 : i32
    return %c0_i32, %arg0 : i32, i32
  }
}

</mosaic_0001>

<sc_bundles>
// kernel: kernel.6.cloned.1.call-start
scs
__scs_entry_jumppad:
0x0: {  	(pc) =	sbr.rel $0x88, $3  }
0x1: {  	(tag) =	ssettag $0x0;
	lr =	simm.s32 $0x1  }
0x2: {  	[smem:$0x3F9E] =	sst lr;
	_ =	strace $0xD0000000  }
0x3: {  	_ = 	snop  }
0x4: {  	_ = 	snop  }
0x5: {  	_ = 	snop  }
0x6: {  	_ = 	snop  }
0x7: {  	_ = 	snop  }
__scs_overlays_trampoline_lowered:
0x8: {  	[smem:$0x3FAD] =	sst s0  }
0x9: {  	[smem:$0x3FAE] =	sst s1  }
0xa: {  	[smem:$0x3FAF] =	sst s2  }
0xb: {  	[smem:$0x3FB0] =	sst s3  }
0xc: {  	[smem:$0x3FB1] =	sst s4  }
0xd: {  	[smem:$0x3FB2] =	sst s5  }
0xe: {  	[smem:$0x3FB3] =	sst s6  }
0xf: {  	[smem:$0x3FB4] =	sst s7  }
0x10: {  	[smem:$0x3FB5] =	sst s8  }
0x11: {  	[smem:$0x3FB6] =	sst s9;
	s0 =	simm.s32 @!p0 $0x0  }
0x12: {  	s1 =	sld [smem:$0x3F9C];
	s0 =	simm.s32 @p0 $0x1  }
0x13: {  	[smem:$0x3FB7] =	sst s0;
	s0 =	simm.s32 @!p1 $0x0  }
0x14: {  	s2 =	sld [smem:$0x3F9B];
	s0 =	simm.s32 @p1 $0x1  }
0x15: {  	[smem:$0x3FB8] =	sst s0;
	s0 =	simm.s32 @!p2 $0x0  }
0x16: {  	s3 =	sld [smem:$0x3FDB];
	s0 =	simm.s32 @p2 $0x1  }
0x17: {  	s4 =	simm.s32 $0x1BF5;
	[smem:$0x3FBA] =	sst s0  }
0x18: {  	s0 =	sld [smem:$0x3F9D];
	_ =	swait.ge [sflag:s4], $0x0  }
0x19: {  	s7 =	sld [smem:$0x3F9E]  }
0x1a: {  	s8 =	sadd.s32 $0xFFFFE003, lr  }
0x1b: {  	s9 =	sadd.s32 $0xFFFFFEF7, lr;
	s5 =	simm.s32 $0xFFFFFFFF;
	p2 =	slt.u32 s8, $0xFFFFF086  }
0x1c: {  	p1 =	slt.u32 s9, $0xF7A;
	s5 =	simm.s32 @!p2 $0x0  }
0x1d: {  	s5 =	simm.s32 @p1 $0x1;
	p0 =	seq.s32 s7, s2  }
0x1e: {  	s7 =	smul.u32 @!p0 $0xF7A, s2;
	p2 =	seq.s32 @!p0 s5, $0x0  }
0x1f: {  	s9 =	smul.u32 $0xF7A, s1;
	s8 =	simm.s32 @!p0 $0x1BF5;
	p2 =	por !p2, p0  }
0x20: {  	[sflag:s8] =	ssyncset.s32 @!p0 $0xFFFFF086;
	s6 =	sadd.s32 @!p0 s3, s7;
	s7 =	simm.s32 @!p0 $0x108  }
0x21: {  	s3 =	sadd.s32 s3, s9;
	s6 =	sadd.s32 @!p0 $0x88, s6;
	s7 =	simm.s32 @p2 $0x1082  }
0x22: {  	[simem:s7], [sflag:s8] =	dma.local @!p0 [hbm:s6], $0xF7A  }
0x23: {  	s9 =	sor.u32 $0xD0000000, s2;
	s6 =	simm.s32 $0x108;
	_ =	swait.ge @!p0 [sflag:s8], $0x0  }
0x24: {  	s3 =	sadd.s32 $0x88, s3;
	s6 =	simm.s32 @!p1 $0x1082;
	[sflag:s4] =	ssyncset.s32 $0xFFFFF086  }
0x25: {  	[simem:s6], [sflag:s4] =	dma.local [hbm:s3], $0xF7A  }
0x26: {  	[smem:$0x3F9E] =	sst s1;
	(tag) =	ssettag s2;
	_ =	strace s9  }
0x27: {  	s1 =	sld [smem:$0x3FAE]  }
0x28: {  	s2 =	sld [smem:$0x3FAF]  }
0x29: {  	s4 =	sld [smem:$0x3FB1]  }
0x2a: {  	p0 =	seq.s32 s5, $0x0;
	s5 =	sld [smem:$0x3FB2]  }
0x2b: {  	s6 =	sld [smem:$0x3FB3]  }
0x2c: {  	s7 =	sld [smem:$0x3FB4]  }
0x2d: {  	s3 =	simm.s32 $0x108;
	s8 =	sld [smem:$0x3FB5]  }
0x2e: {  	s3 =	simm.s32 @!p0 $0x1082;
	s9 =	sld [smem:$0x3FB6]  }
0x2f: {  	lr =	sadd.s32 s0, s3;
	s0 =	sld [smem:$0x3FAD]  }
0x30: {  	s3 =	sld [smem:$0x3FB0]  }
0x31: {  	[smem:$0x3FB9] =	sst s10  }
0x32: {  	s10 =	sld [smem:$0x3FB7];
	_ =	sdelay $0x3  }
0x33: {  	p0 =	seq.s32 s10, $0x1;
	s10 =	sld [smem:$0x3FB9];
	_ =	sdelay $0x3  }
0x34: {  	[smem:$0x3FB9] =	sst s10  }
0x35: {  	s10 =	sld [smem:$0x3FB8];
	_ =	sdelay $0x3  }
0x36: {  	p1 =	seq.s32 s10, $0x1;
	s10 =	sld [smem:$0x3FB9];
	_ =	sdelay $0x3  }
0x37: {  	[smem:$0x3FB9] =	sst s10  }
0x38: {  	s10 =	sld [smem:$0x3FBA]  }
0x39: {  	_ = 	snop;
	(pc) =	sbr.ind lr, $3  }
0x3a: {  	_ = 	snop  }
0x3b: {  	_ = 	snop  }
0x3c: {  	p2 =	seq.s32 s10, $0x1;
	s10 =	sld [smem:$0x3FB9]  }
0x3d: {  	_ =	shalt  }
0x3e: {  	_ =	shalt  }
0x3f: {  	_ =	shalt  }
0x40: {  	_ =	shalt  }
0x41: {  	_ =	shalt  }
0x42: {  	_ =	shalt  }
0x43: {  	_ =	shalt  }
0x44: {  	_ =	shalt  }
0x45: {  	_ =	shalt  }
0x46: {  	_ =	shalt  }
0x47: {  	_ =	shalt  }
0x48: {  	_ =	shalt  }
0x49: {  	_ =	shalt  }
0x4a: {  	_ =	shalt  }
0x4b: {  	_ =	shalt  }
0x4c: {  	_ =	shalt  }
0x4d: {  	_ =	shalt  }
0x4e: {  	_ =	shalt  }
0x4f: {  	_ =	shalt  }
0x50: {  	_ =	shalt  }
0x51: {  	_ =	shalt  }
0x52: {  	_ =	shalt  }
0x53: {  	_ =	shalt  }
0x54: {  	_ =	shalt  }
0x55: {  	_ =	shalt  }
0x56: {  	_ =	shalt  }
0x57: {  	_ =	shalt  }
0x58: {  	_ =	shalt  }
0x59: {  	_ =	shalt  }
0x5a: {  	_ =	shalt  }
0x5b: {  	_ =	shalt  }
0x5c: {  	_ =	shalt  }
0x5d: {  	_ =	shalt  }
0x5e: {  	_ =	shalt  }
0x5f: {  	_ =	shalt  }
0x60: {  	_ =	shalt  }
0x61: {  	_ =	shalt  }
0x62: {  	_ =	shalt  }
0x63: {  	_ =	shalt  }
0x64: {  	_ =	shalt  }
0x65: {  	_ =	shalt  }
0x66: {  	_ =	shalt  }
0x67: {  	_ =	shalt  }
0x68: {  	_ =	shalt  }
0x69: {  	_ =	shalt  }
0x6a: {  	_ =	shalt  }
0x6b: {  	_ =	shalt  }
0x6c: {  	_ =	shalt  }
0x6d: {  	_ =	shalt  }
0x6e: {  	_ =	shalt  }
0x6f: {  	_ =	shalt  }
0x70: {  	_ =	shalt  }
0x71: {  	_ =	shalt  }
0x72: {  	_ =	shalt  }
0x73: {  	_ =	shalt  }
0x74: {  	_ =	shalt  }
0x75: {  	_ =	shalt  }
0x76: {  	_ =	shalt  }
0x77: {  	_ =	shalt  }
0x78: {  	_ =	shalt  }
0x79: {  	_ =	shalt  }
0x7a: {  	_ =	shalt  }
0x7b: {  	_ =	shalt  }
0x7c: {  	_ =	shalt  }
0x7d: {  	_ =	shalt  }
0x7e: {  	_ =	shalt  }
0x7f: {  	_ =	shalt  }
0x80: {  	_ =	shalt  }
0x81: {  	_ =	shalt  }
0x82: {  	_ =	shalt  }
0x83: {  	_ =	shalt  }
0x84: {  	_ =	shalt  }
0x85: {  	_ =	shalt  }
0x86: {  	_ =	shalt  }
0x87: {  	_ =	shalt  }
.Lfunc_end0:
.L_simem_size_0:
called_computation_lowered:
.L_overlay_start_0:
0x88: {  	s2 =	sld [smem:$0x3FD9]  }
0x89: {  	s3 =	sld [smem:$0x3FFE];
	_ =	sdelay $0x1  }
0x8a: {  	s1 =	srdreg.scid  }
0x8b: {  	s0 =	sand.u32 $0x1, s1  }
0x8c: {  	s15 =	sshll.u32 s0, $0xA;
	s2 =	sadd.s32 s3, s2  }
0x8d: {  	s2 =	sadd.s32 s2, s15  }
0x8e: {  	[smem:$0x3FC5] =	sst s2  }
0x8f: {  	_ = 	snop  }
0x90: {  	s2 =	sld [smem:$0x3FD0]  }
0x91: {  	s16 =	sld [smem:$0x3FC9]  }
0x92: {  	s4 =	sld [smem:$0x3FC8]  }
0x93: {  	s6 =	simm.s32 $0xB;
	s7 =	simm.s32 $0x10;
	s5 =	sld [smem:$0x3FC7]  }
0x94: {  	[smem:s7], [sflag:s6] =	dma.local [hbm:s2], $0x1  }
0x95: {  	_ =	swait.eq [sflag:s6], $0x1  }
0x96: {  	[sflag:s6] =	ssyncset.done $0x0  }
0x97: {  	s17 =	sld [smem:$0x10];
	[sflag:s6] =	ssyncadd.s32 $0xFFFFFFFF  }
0x98: {  	s18 =	sld [smem:$0x11];
	(tm) =	ssettm $0x1  }
0x99: {  	s19 =	sld [smem:$0x3FFB];
	_ =	sdelay $0x3  }
0x9a: {  	_ =	strace s19  }
0x9b: {  	s7 =	sld [smem:$0x3FFC];
	_ =	sdelay $0x3  }
0x9c: {  	_ =	strace s7  }
0x9d: {  	s7 =	sld [smem:$0x3FFD];
	_ =	sdelay $0x3  }
0x9e: {  	_ =	strace s7  }
0x9f: {  	_ =	strace $0x8FFFFFFF  }
0xa0: {  	s20 =	sld [smem:$0x3FDB];
	_ =	sdelay $0x1  }
0xa1: {  	s8 =	simm.s32 $_scs_section_size  }
0xa2: {  	s9 =	simm.s32 $_size__tile_overlayer_lowered;
	s10 =	simm.s32 $_tile_overlayer_lowered  }
0xa3: {  	s23 =	simm.s32 $0x1BFF;
	s22 =	sshll.u32 s10, $0x1;
	s7 =	sadd.s32 s8, s20  }
0xa4: {  	s11 =	simm.s32 $0x0;
	s21 =	sshll.u32 s9, $0x1;
	s9 =	sadd.s32 s22, s7  }
0xa5: {  	[timem:s11], [sflag:s23] =	dma.local [hbm:s9], s21  }
0xa6: {  	_ =	swait.ge [sflag:s23], s21  }
0xa7: {  	s8 =	ssub.s32 $0x0, s21;
	[sflag:s23] =	ssyncset.done $0x0  }
0xa8: {  	[sflag:s23] =	ssyncadd.s32 s8;
	_ =	sdelay $0x1  }
0xa9: {  	s24 =	simm.s32 $0x1B8B  }
0xaa: {  	_ =	swait.ge [sflag:s24], $0x1  }
0xab: {  	[sflag:s24] =	ssyncset.done $0x0  }
0xac: {  	s25 =	simm.s32 $0x1B8E;
	[sflag:s24] =	ssyncadd.s32 $0xFFFFFFFF  }
0xad: {  	s26 =	simm.s32 $execute0_lowered;
	[smem:$0x3FD2] =	sst s25  }
0xae: {  	s8 =	sshll.u32 s26, $0x1;
	_ =	strace $0x80000046;
	[dreg:$0x1] =	wrdreg $0xFFFFFFFF  }
0xaf: {  	s28 =	simm.s32 $_size_execute0_lowered;
	s7 =	sadd.s32 s7, s8;
	[dreg:$0x0] =	wrdreg $0x0  }
0xb0: {  	s8 =	sshll.u32 s28, $0x1;
	[dreg:$0x2] =	wrdreg s7  }
0xb1: {  	[dreg:$0x3] =	wrdreg s8  }
0xb2: {  	[dreg:$0x4] =	wrdreg $0xC0  }
0xb3: {  	_ =	task [dreg:s11], $0x5FFFF  }
0xb4: {  	[dreg:$0x1] =	wrdreg $0xFFFFFFFF  }
0xb5: {  	[dreg:$0x0] =	wrdreg $0x60  }
0xb6: {  	[dreg:$0x2] =	wrdreg s16  }
0xb7: {  	[dreg:$0x3] =	wrdreg s4  }
0xb8: {  	[dreg:$0x4] =	wrdreg s5  }
0xb9: {  	[dreg:$0x5] =	wrdreg s18  }
0xba: {  	[dreg:$0x6] =	wrdreg s17  }
0xbb: {  	[dreg:$0x7] =	wrdreg $0x9  }
0xbc: {  	_ =	task.clear_ibuf [dreg:s11], $0x8FFFF;
	_ =	strace $0x90000046  }
0xbd: {  	s29 =	simm.s32 $0x9;
	_ =	strace $0x80000048  }
0xbe: {  	_ =	swait.ge [sflag:s29], $0x1  }
0xbf: {  	[sflag:s29] =	ssyncadd.s32 $0xFFFFFFFF  }
0xc0: {  	_ =	strace $0x90000048  }
0xc1: {  	_ =	sfence  }
0xc2: {  	s30 =	sld [smem:$0x0];
	_ =	sdelay $0x2  }
0xc3: {  	s31 =	sshll.u32 s1, $0xD;
	s1 =	sshrl.u32 s1, $0x2  }
0xc4: {  	s3 =	sand.u32 $0x4000, s31;
	s1 =	sadd.s32 s1, s30  }
0xc5: {  	s0 =	sor.u32 s3, s0;
	s1 =	sshll.u32 s1, $0x11  }
0xc6: {  	s0 =	sor.u32 s1, s0  }
0xc7: {  	s0 =	sadd.s32 $0x8F2B, s0  }
0xc8: {  	[sflag:s0] =	ssyncadd.remote.s32 $0x1  }
0xc9: {  	_ =	sfence.sel $0xFFFF  }
0xca: {  	[dreg:$0x0] =	wrdreg $0xFFFFFFFF;
	(pc) =	sbr.abs _section_cstart, $3  }
0xcb: {  	[dreg:$0x1] =	wrdreg $0xFFFFFFFF  }
0xcc: {  	_ =	task.clear_ibuf [dreg:s11], $0x2FFFF;
	_ =	strace $0x9FFFFFFF  }
0xcd: {  	(tm) =	ssettm $0x7FFFFFFF  }
tec
execute0_lowered:
.L_overlay_start_1:
0x0: {  	(tag) =	ssettag $0x1  }
0x1: {  	s1 =	rddreg [dreg:$0x0]  }
0x2: {  	s3 =	srdreg.scid;
	s0 =	stileid.u32  }
0x3: {  	s2 =	rddreg [dreg:$0x1];
	s22 =	sand.u32 $0x1, s3;
	s29 =	sshll.u32 s0, $0x1  }
0x4: {  	s9 =	rddreg [dreg:$0x2];
	s14 =	sor.u32 s22, s29  }
0x5: {  	s19 =	rddreg [dreg:$0x3];
	s10 =	smul.u32 $0x180, s14  }
0x6: {  	s23 =	rddreg [dreg:$0x4];
	s4 =	simm.s32 $0x0  }
0x7: {  	s6 =	simm.s32 $0x5;
	[smem:$0x7FF] =	sst s4;
	s5 =	sshrl.u32 s10, $0x3  }
0x8: {  	s3 =	rddreg [dreg:$0x5];
	_ =	strace $0x80000047;
	s5 =	sadd.s32 s9, s5  }
0x9: {  	[tilespmem:s4], [sflag:$0x5] =	stream.linear.gather [hbm4b:s5+s4], $0x80, $0x38;
	[tilespmem:$0x8200] =	vst v63  }
0xa: {  	s17 =	sadd.s32 $0x80, s10;
	_ =	swait.ge [sflag:s6], $0x80  }
0xb: {  	s7 =	sshrl.u32 s17, $0x3;
	[sflag:s6] =	ssyncset.done $0x0  }
0xc: {  	s8 =	simm.s32 $0x80;
	s7 =	sadd.s32 s9, s7;
	[sflag:s6] =	ssyncadd.s32 $0xFFFFFF80  }
0xd: {  	[tilespmem:s8], [sflag:$0x5] =	stream.linear.gather [hbm4b:s7+s4], $0x80, $0x38;
	[tilespmem:$0x8200] =	vst v63  }
0xe: {  	s20 =	sadd.s32 $0x100, s10;
	_ =	swait.ge [sflag:s6], $0x80  }
0xf: {  	s10 =	sshrl.u32 s20, $0x3;
	[sflag:s6] =	ssyncset.done $0x0  }
0x10: {  	s9 =	sadd.s32 s9, s10;
	s10 =	simm.s32 $0x100;
	[sflag:s6] =	ssyncadd.s32 $0xFFFFFF80  }
0x11: {  	[tilespmem:s10], [sflag:$0x5] =	stream.linear.gather [hbm4b:s9+s4], $0x80, $0x38;
	[tilespmem:$0x8200] =	vst v63  }
0x12: {  	_ =	swait.ge [sflag:s6], $0x80  }
0x13: {  	[sflag:s6] =	ssyncset.done $0x0  }
0x14: {  	s11 =	simm.s32 $0x200;
	[sflag:s6] =	ssyncadd.s32 $0xFFFFFF80  }
0x15: {  	[tilespmem:s11], [sflag:$0x1] =	stream.indirect.gather [hbm4b:s1+s8], $0x80, s4, s8, $0xb8;
	[tilespmem:$0x8200] =	vst v63  }
0x16: {  	s12 =	simm.s32 $0x4200;
	s13 =	simm.s32 $0x1  }
0x17: {  	[tilespmem:s12], [sflag:$0x2] =	stream.indirect.gather [hbm4b:s1+s8], $0x80, s8, s8, $0xb8;
	[tilespmem:$0x8200] =	vst v63  }
0x18: {  	s21 =	smul.u32 $0x1800, s14;
	_ =	swait.ge [sflag:s13], $0x4000  }
0x19: {  	[sflag:s13] =	ssyncset.done $0x0  }
0x1a: {  	s15 =	simm.s32 $0x3;
	s14 =	sadd.s32 s19, s21;
	[sflag:s13] =	ssyncadd.s32 $0xFFFFC000  }
0x1b: {  	[hbm4b:s14+s4] =	stream.linear.scatter [tilespmem:s11], [sflag:$0x3], $0x4000, $0x38;
	[tilespmem:$0x8200] =	vst v63  }
0x1c: {  	_ =	swait.ge [sflag:s15], $0x4000  }
0x1d: {  	[sflag:s15] =	ssyncset.done $0x0  }
0x1e: {  	s16 =	simm.s32 $0x2;
	[sflag:s15] =	ssyncadd.s32 $0xFFFFC000  }
0x1f: {  	[tilespmem:s11], [sflag:$0x1] =	stream.indirect.gather [hbm4b:s1+s8], $0x80, s10, s8, $0xb8;
	[tilespmem:$0x8200] =	vst v63  }
0x20: {  	_ =	swait.ge [sflag:s16], $0x4000  }
0x21: {  	s24 =	sshll.u32 s17, $0x4;
	[sflag:s16] =	ssyncset.done $0x0  }
0x22: {  	s17 =	simm.s32 $0x4;
	s18 =	sadd.s32 s19, s24;
	[sflag:s16] =	ssyncadd.s32 $0xFFFFC000  }
0x23: {  	[hbm4b:s18+s4] =	stream.linear.scatter [tilespmem:s12], [sflag:$0x4], $0x4000, $0x38;
	[tilespmem:$0x8200] =	vst v63  }
0x24: {  	_ =	swait.ge [sflag:s17], $0x4000  }
0x25: {  	[sflag:s17] =	ssyncset.done $0x0  }
0x26: {  	[sflag:s17] =	ssyncadd.s32 $0xFFFFC000  }
0x27: {  	[tilespmem:s12], [sflag:$0x2] =	stream.indirect.gather [hbm4b:s2+s8], $0x80, s4, s8, $0xb8;
	[tilespmem:$0x8200] =	vst v63  }
0x28: {  	_ =	swait.ge [sflag:s13], $0x4000  }
0x29: {  	s25 =	sshll.u32 s20, $0x4;
	[sflag:s13] =	ssyncset.done $0x0  }
0x2a: {  	s19 =	sadd.s32 s19, s25;
	[sflag:s13] =	ssyncadd.s32 $0xFFFFC000  }
0x2b: {  	[hbm4b:s19+s4] =	stream.linear.scatter [tilespmem:s11], [sflag:$0x3], $0x4000, $0x38;
	[tilespmem:$0x8200] =	vst v63  }
0x2c: {  	_ =	swait.ge [sflag:s15], $0x4000  }
0x2d: {  	[sflag:s15] =	ssyncset.done $0x0  }
0x2e: {  	[sflag:s15] =	ssyncadd.s32 $0xFFFFC000  }
0x2f: {  	[tilespmem:s11], [sflag:$0x1] =	stream.indirect.gather [hbm4b:s2+s8], $0x80, s8, s8, $0xb8;
	[tilespmem:$0x8200] =	vst v63  }
0x30: {  	_ =	swait.ge [sflag:s16], $0x4000  }
0x31: {  	[sflag:s16] =	ssyncset.done $0x0  }
0x32: {  	s20 =	sadd.s32 s23, s21;
	[sflag:s16] =	ssyncadd.s32 $0xFFFFC000  }
0x33: {  	[hbm4b:s20+s4] =	stream.linear.scatter [tilespmem:s12], [sflag:$0x4], $0x4000, $0x38;
	[tilespmem:$0x8200] =	vst v63  }
0x34: {  	_ =	swait.ge [sflag:s17], $0x4000  }
0x35: {  	[sflag:s17] =	ssyncset.done $0x0  }
0x36: {  	[sflag:s17] =	ssyncadd.s32 $0xFFFFC000  }
0x37: {  	[tilespmem:s12], [sflag:$0x2] =	stream.indirect.gather [hbm4b:s2+s8], $0x80, s10, s8, $0xb8;
	[tilespmem:$0x8200] =	vst v63  }
0x38: {  	_ =	swait.ge [sflag:s13], $0x4000  }
0x39: {  	s30 =	ssub.s32 $0x2, s22;
	[sflag:s13] =	ssyncset.done $0x0  }
0x3a: {  	s31 =	sshrl.u32 s30, $0x1;
	s21 =	sadd.s32 s23, s24;
	[sflag:s13] =	ssyncadd.s32 $0xFFFFC000  }
0x3b: {  	[hbm4b:s21+s4] =	stream.linear.scatter [tilespmem:s11], [sflag:$0x3], $0x4000, $0x38;
	[tilespmem:$0x8200] =	vst v63  }
0x3c: {  	s22 =	sadd.s32 s23, s25;
	s23 =	ssub.s32 s30, s31;
	_ =	swait.ge [sflag:s16], $0x4000  }
0x3d: {  	s23 =	smax.u32 s23, $0x1;
	[sflag:s16] =	ssyncset.done $0x0  }
0x3e: {  	p0 =	sne.s32 s23, $0x1;
	[sflag:s16] =	ssyncadd.s32 $0xFFFFC000  }
0x3f: {  	[hbm4b:s22+s4] =	stream.linear.scatter [tilespmem:s12], [sflag:$0x4], $0x4000, $0x38;
	[tilespmem:$0x8200] =	vst v63  }
.Ltmp0:
0x40: {  	_ =	swait.ge [sflag:s15], $0x4000;
	(pc) =	sbr.rel @!p0 .LBB2_2-.Ltmp0, $4  }
0x41: {  	[sflag:s15] =	ssyncset.done $0x0  }
0x42: {  	[sflag:s15] =	ssyncadd.s32 $0xFFFFC000  }
0x43: {  	_ =	swait.ge [sflag:s17], $0x4000  }
0x44: {  	s23 =	sadd.s32 $0xFFFFFFFF, s23;
	[sflag:s17] =	ssyncset.done $0x0  }
.LBB2_1:
0x45: {  	p0 =	sne.s32 s23, $0x1;
	s23 =	sadd.s32 $0xFFFFFFFF, s23;
	[sflag:s17] =	ssyncadd.s32 $0xFFFFC000  }
0x46: {  	[tilespmem:s4], [sflag:$0x5] =	stream.linear.gather [hbm4b:s5+s4], $0x80, $0x38;
	[tilespmem:$0x8200] =	vst v63  }
0x47: {  	_ =	swait.ge [sflag:s6], $0x80  }
0x48: {  	[sflag:s6] =	ssyncset.done $0x0  }
0x49: {  	[sflag:s6] =	ssyncadd.s32 $0xFFFFFF80  }
0x4a: {  	[tilespmem:s8], [sflag:$0x5] =	stream.linear.gather [hbm4b:s7+s4], $0x80, $0x38;
	[tilespmem:$0x8200] =	vst v63  }
0x4b: {  	_ =	swait.ge [sflag:s6], $0x80  }
0x4c: {  	[sflag:s6] =	ssyncset.done $0x0  }
0x4d: {  	[sflag:s6] =	ssyncadd.s32 $0xFFFFFF80  }
0x4e: {  	[tilespmem:s10], [sflag:$0x5] =	stream.linear.gather [hbm4b:s9+s4], $0x80, $0x38;
	[tilespmem:$0x8200] =	vst v63  }
0x4f: {  	_ =	swait.ge [sflag:s6], $0x80  }
0x50: {  	[sflag:s6] =	ssyncset.done $0x0  }
0x51: {  	[sflag:s6] =	ssyncadd.s32 $0xFFFFFF80  }
0x52: {  	[tilespmem:s11], [sflag:$0x1] =	stream.indirect.gather [hbm4b:s1+s8], $0x80, s4, s8, $0xb8;
	[tilespmem:$0x8200] =	vst v63  }
0x53: {  	_ = 	snop  }
0x54: {  	[tilespmem:s12], [sflag:$0x2] =	stream.indirect.gather [hbm4b:s1+s8], $0x80, s8, s8, $0xb8;
	[tilespmem:$0x8200] =	vst v63  }
0x55: {  	_ =	swait.ge [sflag:s13], $0x4000  }
0x56: {  	[sflag:s13] =	ssyncset.done $0x0  }
0x57: {  	[sflag:s13] =	ssyncadd.s32 $0xFFFFC000  }
0x58: {  	[hbm4b:s14+s4] =	stream.linear.scatter [tilespmem:s11], [sflag:$0x3], $0x4000, $0x38;
	[tilespmem:$0x8200] =	vst v63  }
0x59: {  	_ =	swait.ge [sflag:s15], $0x4000  }
0x5a: {  	[sflag:s15] =	ssyncset.done $0x0  }
0x5b: {  	[sflag:s15] =	ssyncadd.s32 $0xFFFFC000  }
0x5c: {  	[tilespmem:s11], [sflag:$0x1] =	stream.indirect.gather [hbm4b:s1+s8], $0x80, s10, s8, $0xb8;
	[tilespmem:$0x8200] =	vst v63  }
0x5d: {  	_ =	swait.ge [sflag:s16], $0x4000  }
0x5e: {  	[sflag:s16] =	ssyncset.done $0x0  }
0x5f: {  	[sflag:s16] =	ssyncadd.s32 $0xFFFFC000  }
0x60: {  	[hbm4b:s18+s4] =	stream.linear.scatter [tilespmem:s12], [sflag:$0x4], $0x4000, $0x38;
	[tilespmem:$0x8200] =	vst v63  }
0x61: {  	_ =	swait.ge [sflag:s17], $0x4000  }
0x62: {  	[sflag:s17] =	ssyncset.done $0x0  }
0x63: {  	[sflag:s17] =	ssyncadd.s32 $0xFFFFC000  }
0x64: {  	[tilespmem:s12], [sflag:$0x2] =	stream.indirect.gather [hbm4b:s2+s8], $0x80, s4, s8, $0xb8;
	[tilespmem:$0x8200] =	vst v63  }
0x65: {  	_ =	swait.ge [sflag:s13], $0x4000  }
0x66: {  	[sflag:s13] =	ssyncset.done $0x0  }
0x67: {  	[sflag:s13] =	ssyncadd.s32 $0xFFFFC000  }
0x68: {  	[hbm4b:s19+s4] =	stream.linear.scatter [tilespmem:s11], [sflag:$0x3], $0x4000, $0x38;
	[tilespmem:$0x8200] =	vst v63  }
0x69: {  	_ =	swait.ge [sflag:s15], $0x4000  }
0x6a: {  	[sflag:s15] =	ssyncset.done $0x0  }
0x6b: {  	[sflag:s15] =	ssyncadd.s32 $0xFFFFC000  }
0x6c: {  	[tilespmem:s11], [sflag:$0x1] =	stream.indirect.gather [hbm4b:s2+s8], $0x80, s8, s8, $0xb8;
	[tilespmem:$0x8200] =	vst v63  }
0x6d: {  	_ =	swait.ge [sflag:s16], $0x4000  }
0x6e: {  	[sflag:s16] =	ssyncset.done $0x0  }
0x6f: {  	[sflag:s16] =	ssyncadd.s32 $0xFFFFC000  }
0x70: {  	[hbm4b:s20+s4] =	stream.linear.scatter [tilespmem:s12], [sflag:$0x4], $0x4000, $0x38;
	[tilespmem:$0x8200] =	vst v63  }
0x71: {  	_ =	swait.ge [sflag:s17], $0x4000  }
0x72: {  	[sflag:s17] =	ssyncset.done $0x0  }
0x73: {  	[sflag:s17] =	ssyncadd.s32 $0xFFFFC000  }
0x74: {  	[tilespmem:s12], [sflag:$0x2] =	stream.indirect.gather [hbm4b:s2+s8], $0x80, s10, s8, $0xb8;
	[tilespmem:$0x8200] =	vst v63  }
0x75: {  	_ =	swait.ge [sflag:s13], $0x4000  }
0x76: {  	[sflag:s13] =	ssyncset.done $0x0  }
0x77: {  	[sflag:s13] =	ssyncadd.s32 $0xFFFFC000  }
0x78: {  	[hbm4b:s21+s4] =	stream.linear.scatter [tilespmem:s11], [sflag:$0x3], $0x4000, $0x38;
	[tilespmem:$0x8200] =	vst v63  }
0x79: {  	_ =	swait.ge [sflag:s16], $0x4000  }
0x7a: {  	[sflag:s16] =	ssyncset.done $0x0  }
0x7b: {  	[sflag:s16] =	ssyncadd.s32 $0xFFFFC000  }
0x7c: {  	[hbm4b:s22+s4] =	stream.linear.scatter [tilespmem:s12], [sflag:$0x4], $0x4000, $0x38;
	[tilespmem:$0x8200] =	vst v63  }
.Ltmp1:
0x7d: {  	_ =	swait.ge [sflag:s15], $0x4000;
	(pc) =	sbr.rel @p0 .LBB2_1-.Ltmp1, $4  }
0x7e: {  	[sflag:s15] =	ssyncset.done $0x0  }
0x7f: {  	[sflag:s15] =	ssyncadd.s32 $0xFFFFC000  }
0x80: {  	_ =	swait.ge [sflag:s17], $0x4000  }
0x81: {  	[sflag:s17] =	ssyncset.done $0x0  }
.LBB2_2:
0x82: {  	[sflag:s17] =	ssyncadd.s32 $0xFFFFC000  }
0x83: {  	_ =	sfence.sel $0x180000  }
0x84: {  	[bflag:$0x0] =	sbarrier.arrive $0xFFFF  }
0x85: {  	p0 =	sne.s32 s0, $0x0;
	_ =	strace $0x90000047  }
0x86: {  	s0 =	sadd.s32 @!p0 $0x100000, s3;
	[bflag:$0x2] =	sbarrier.arrive $0xFFFF  }
0x87: {  	[sflag:s0] =	ssyncadd.tile.s32 @!p0 $0x1;
	_ =	shalt  }
.Lfunc_end2:
_tile_overlayer_lowered:
.L_overlay_start_2:
0x88: {  	(tag) =	ssettag $0x2  }
0x89: {  	s0 =	rddreg [dreg:$0x0];
	s2 =	stileid.u32  }
0x8a: {  	s1 =	rddreg [dreg:$0x1];
	p0 =	sne.s32 s2, $0x0  }
0x8b: {  	s3 =	rddreg [dreg:$0x2];
	[bflag:$0x3] =	sbarrier.arrive $0xFFFF;
	s2 =	simm.s32 @!p0 $0x1C05  }
0x8c: {  	[timem:s3], [sflag:s2] =	dma.local @!p0 [hbm:s0], s1  }
0x8d: {  	s0 =	simm.s32 @!p0 $0x5  }
0x8e: {  	_ =	swait.ge @!p0 [sflag:s0], s1  }
0x8f: {  	s1 =	ssub.s32 @!p0 $0x0, s1;
	[sflag:s0] =	ssyncset.done @!p0 $0x0  }
0x90: {  	[sflag:s0] =	ssyncadd.s32 @!p0 s1  }
0x91: {  	[bflag:$0x3] =	sbarrier.arrive $0xFFFF  }
0x92: {  	_ =	shalt  }

// kernel: kernel.9.cloned.1.call-start
scs
__scs_entry_jumppad:
0x0: {  	(pc) =	sbr.rel $0x88, $3  }
0x1: {  	(tag) =	ssettag $0x0;
	lr =	simm.s32 $0x1  }
0x2: {  	[smem:$0x3F9E] =	sst lr;
	_ =	strace $0xD0000000  }
0x3: {  	_ = 	snop  }
0x4: {  	_ = 	snop  }
0x5: {  	_ = 	snop  }
0x6: {  	_ = 	snop  }
0x7: {  	_ = 	snop  }
__scs_overlays_trampoline_lowered:
0x8: {  	[smem:$0x3FAD] =	sst s0  }
0x9: {  	[smem:$0x3FAE] =	sst s1  }
0xa: {  	[smem:$0x3FAF] =	sst s2  }
0xb: {  	[smem:$0x3FB0] =	sst s3  }
0xc: {  	[smem:$0x3FB1] =	sst s4  }
0xd: {  	[smem:$0x3FB2] =	sst s5  }
0xe: {  	[smem:$0x3FB3] =	sst s6  }
0xf: {  	[smem:$0x3FB4] =	sst s7  }
0x10: {  	[smem:$0x3FB5] =	sst s8  }
0x11: {  	[smem:$0x3FB6] =	sst s9;
	s0 =	simm.s32 @!p0 $0x0  }
0x12: {  	s1 =	sld [smem:$0x3F9C];
	s0 =	simm.s32 @p0 $0x1  }
0x13: {  	[smem:$0x3FB7] =	sst s0;
	s0 =	simm.s32 @!p1 $0x0  }
0x14: {  	s2 =	sld [smem:$0x3F9B];
	s0 =	simm.s32 @p1 $0x1  }
0x15: {  	[smem:$0x3FB8] =	sst s0;
	s0 =	simm.s32 @!p2 $0x0  }
0x16: {  	s3 =	sld [smem:$0x3FDB];
	s0 =	simm.s32 @p2 $0x1  }
0x17: {  	s4 =	simm.s32 $0x1BF5;
	[smem:$0x3FBA] =	sst s0  }
0x18: {  	s0 =	sld [smem:$0x3F9D];
	_ =	swait.ge [sflag:s4], $0x0  }
0x19: {  	s7 =	sld [smem:$0x3F9E]  }
0x1a: {  	s8 =	sadd.s32 $0xFFFFE003, lr  }
0x1b: {  	s9 =	sadd.s32 $0xFFFFFEF7, lr;
	s5 =	simm.s32 $0xFFFFFFFF;
	p2 =	slt.u32 s8, $0xFFFFF086  }
0x1c: {  	p1 =	slt.u32 s9, $0xF7A;
	s5 =	simm.s32 @!p2 $0x0  }
0x1d: {  	s5 =	simm.s32 @p1 $0x1;
	p0 =	seq.s32 s7, s2  }
0x1e: {  	s7 =	smul.u32 @!p0 $0xF7A, s2;
	p2 =	seq.s32 @!p0 s5, $0x0  }
0x1f: {  	s9 =	smul.u32 $0xF7A, s1;
	s8 =	simm.s32 @!p0 $0x1BF5;
	p2 =	por !p2, p0  }
0x20: {  	[sflag:s8] =	ssyncset.s32 @!p0 $0xFFFFF086;
	s6 =	sadd.s32 @!p0 s3, s7;
	s7 =	simm.s32 @!p0 $0x108  }
0x21: {  	s3 =	sadd.s32 s3, s9;
	s6 =	sadd.s32 @!p0 $0x88, s6;
	s7 =	simm.s32 @p2 $0x1082  }
0x22: {  	[simem:s7], [sflag:s8] =	dma.local @!p0 [hbm:s6], $0xF7A  }
0x23: {  	s9 =	sor.u32 $0xD0000000, s2;
	s6 =	simm.s32 $0x108;
	_ =	swait.ge @!p0 [sflag:s8], $0x0  }
0x24: {  	s3 =	sadd.s32 $0x88, s3;
	s6 =	simm.s32 @!p1 $0x1082;
	[sflag:s4] =	ssyncset.s32 $0xFFFFF086  }
0x25: {  	[simem:s6], [sflag:s4] =	dma.local [hbm:s3], $0xF7A  }
0x26: {  	[smem:$0x3F9E] =	sst s1;
	(tag) =	ssettag s2;
	_ =	strace s9  }
0x27: {  	s1 =	sld [smem:$0x3FAE]  }
0x28: {  	s2 =	sld [smem:$0x3FAF]  }
0x29: {  	s4 =	sld [smem:$0x3FB1]  }
0x2a: {  	p0 =	seq.s32 s5, $0x0;
	s5 =	sld [smem:$0x3FB2]  }
0x2b: {  	s6 =	sld [smem:$0x3FB3]  }
0x2c: {  	s7 =	sld [smem:$0x3FB4]  }
0x2d: {  	s3 =	simm.s32 $0x108;
	s8 =	sld [smem:$0x3FB5]  }
0x2e: {  	s3 =	simm.s32 @!p0 $0x1082;
	s9 =	sld [smem:$0x3FB6]  }
0x2f: {  	lr =	sadd.s32 s0, s3;
	s0 =	sld [smem:$0x3FAD]  }
0x30: {  	s3 =	sld [smem:$0x3FB0]  }
0x31: {  	[smem:$0x3FB9] =	sst s10  }
0x32: {  	s10 =	sld [smem:$0x3FB7];
	_ =	sdelay $0x3  }
0x33: {  	p0 =	seq.s32 s10, $0x1;
	s10 =	sld [smem:$0x3FB9];
	_ =	sdelay $0x3  }
0x34: {  	[smem:$0x3FB9] =	sst s10  }
0x35: {  	s10 =	sld [smem:$0x3FB8];
	_ =	sdelay $0x3  }
0x36: {  	p1 =	seq.s32 s10, $0x1;
	s10 =	sld [smem:$0x3FB9];
	_ =	sdelay $0x3  }
0x37: {  	[smem:$0x3FB9] =	sst s10  }
0x38: {  	s10 =	sld [smem:$0x3FBA]  }
0x39: {  	_ = 	snop;
	(pc) =	sbr.ind lr, $3  }
0x3a: {  	_ = 	snop  }
0x3b: {  	_ = 	snop  }
0x3c: {  	p2 =	seq.s32 s10, $0x1;
	s10 =	sld [smem:$0x3FB9]  }
0x3d: {  	_ =	shalt  }
0x3e: {  	_ =	shalt  }
0x3f: {  	_ =	shalt  }
0x40: {  	_ =	shalt  }
0x41: {  	_ =	shalt  }
0x42: {  	_ =	shalt  }
0x43: {  	_ =	shalt  }
0x44: {  	_ =	shalt  }
0x45: {  	_ =	shalt  }
0x46: {  	_ =	shalt  }
0x47: {  	_ =	shalt  }
0x48: {  	_ =	shalt  }
0x49: {  	_ =	shalt  }
0x4a: {  	_ =	shalt  }
0x4b: {  	_ =	shalt  }
0x4c: {  	_ =	shalt  }
0x4d: {  	_ =	shalt  }
0x4e: {  	_ =	shalt  }
0x4f: {  	_ =	shalt  }
0x50: {  	_ =	shalt  }
0x51: {  	_ =	shalt  }
0x52: {  	_ =	shalt  }
0x53: {  	_ =	shalt  }
0x54: {  	_ =	shalt  }
0x55: {  	_ =	shalt  }
0x56: {  	_ =	shalt  }
0x57: {  	_ =	shalt  }
0x58: {  	_ =	shalt  }
0x59: {  	_ =	shalt  }
0x5a: {  	_ =	shalt  }
0x5b: {  	_ =	shalt  }
0x5c: {  	_ =	shalt  }
0x5d: {  	_ =	shalt  }
0x5e: {  	_ =	shalt  }
0x5f: {  	_ =	shalt  }
0x60: {  	_ =	shalt  }
0x61: {  	_ =	shalt  }
0x62: {  	_ =	shalt  }
0x63: {  	_ =	shalt  }
0x64: {  	_ =	shalt  }
0x65: {  	_ =	shalt  }
0x66: {  	_ =	shalt  }
0x67: {  	_ =	shalt  }
0x68: {  	_ =	shalt  }
0x69: {  	_ =	shalt  }
0x6a: {  	_ =	shalt  }
0x6b: {  	_ =	shalt  }
0x6c: {  	_ =	shalt  }
0x6d: {  	_ =	shalt  }
0x6e: {  	_ =	shalt  }
0x6f: {  	_ =	shalt  }
0x70: {  	_ =	shalt  }
0x71: {  	_ =	shalt  }
0x72: {  	_ =	shalt  }
0x73: {  	_ =	shalt  }
0x74: {  	_ =	shalt  }
0x75: {  	_ =	shalt  }
0x76: {  	_ =	shalt  }
0x77: {  	_ =	shalt  }
0x78: {  	_ =	shalt  }
0x79: {  	_ =	shalt  }
0x7a: {  	_ =	shalt  }
0x7b: {  	_ =	shalt  }
0x7c: {  	_ =	shalt  }
0x7d: {  	_ =	shalt  }
0x7e: {  	_ =	shalt  }
0x7f: {  	_ =	shalt  }
0x80: {  	_ =	shalt  }
0x81: {  	_ =	shalt  }
0x82: {  	_ =	shalt  }
0x83: {  	_ =	shalt  }
0x84: {  	_ =	shalt  }
0x85: {  	_ =	shalt  }
0x86: {  	_ =	shalt  }
0x87: {  	_ =	shalt  }
.Lfunc_end0:
.L_simem_size_0:
called_computation.1_lowered:
.L_overlay_start_0:
0x88: {  	s2 =	sld [smem:$0x3FD9]  }
0x89: {  	s3 =	sld [smem:$0x3FFE];
	_ =	sdelay $0x1  }
0x8a: {  	s1 =	srdreg.scid  }
0x8b: {  	s0 =	sand.u32 $0x1, s1  }
0x8c: {  	s17 =	sshll.u32 s0, $0xA;
	s2 =	sadd.s32 s3, s2  }
0x8d: {  	s2 =	sadd.s32 s2, s17  }
0x8e: {  	[smem:$0x3FC5] =	sst s2  }
0x8f: {  	_ = 	snop  }
0x90: {  	s18 =	sld [smem:$0x3FC9]  }
0x91: {  	s4 =	sld [smem:$0x3FC8]  }
0x92: {  	s5 =	sld [smem:$0x3FC7];
	(tm) =	ssettm $0x1  }
0x93: {  	s19 =	sld [smem:$0x3FFB];
	_ =	sdelay $0x3  }
0x94: {  	_ =	strace s19  }
0x95: {  	s2 =	sld [smem:$0x3FFC];
	_ =	sdelay $0x3  }
0x96: {  	_ =	strace s2  }
0x97: {  	s2 =	sld [smem:$0x3FFD];
	_ =	sdelay $0x3  }
0x98: {  	_ =	strace s2  }
0x99: {  	_ =	strace $0x8FFFFFFF  }
0x9a: {  	s20 =	sld [smem:$0x3FDB];
	_ =	sdelay $0x1  }
0x9b: {  	s6 =	simm.s32 $_scs_section_size  }
0x9c: {  	s7 =	simm.s32 $_size__tile_overlayer_lowered;
	s8 =	simm.s32 $_tile_overlayer_lowered  }
0x9d: {  	s9 =	simm.s32 $0x1BFF;
	s21 =	sshll.u32 s8, $0x1;
	s6 =	sadd.s32 s6, s20  }
0x9e: {  	s22 =	simm.s32 $0x0;
	s7 =	sshll.u32 s7, $0x1;
	s8 =	sadd.s32 s21, s6  }
0x9f: {  	[timem:s22], [sflag:s9] =	dma.local [hbm:s8], s7  }
0xa0: {  	_ =	swait.ge [sflag:s9], s7  }
0xa1: {  	s7 =	ssub.s32 $0x0, s7;
	[sflag:s9] =	ssyncset.done $0x0  }
0xa2: {  	[sflag:s9] =	ssyncadd.s32 s7;
	_ =	sdelay $0x1  }
0xa3: {  	s23 =	simm.s32 $0x1B8B  }
0xa4: {  	_ =	swait.ge [sflag:s23], $0x1  }
0xa5: {  	[sflag:s23] =	ssyncset.done $0x0  }
0xa6: {  	[sflag:s23] =	ssyncadd.s32 $0xFFFFFFFF  }
0xa7: {  	s7 =	sld [smem:$0x0]  }
0xa8: {  	s8 =	sand.u32 $0xFFFFFFFE, s1  }
0xa9: {  	p0 =	sne.s32 s1, s8  }
0xaa: {  	s8 =	sshll.u32 @p0 s8, $0xE  }
0xab: {  	s8 =	sadd.s32 @p0 $0x11B8D, s8;
	s9 =	sshll.u32 @p0 s7, $0x11  }
0xac: {  	s8 =	sor.u32 @p0 s9, s8  }
0xad: {  	[sflag:s8] =	ssyncadd.remote.s32 @p0 $0x1;
	_ =	sdelay $0x1  }
0xae: {  	s8 =	simm.s32 @p0 $0x1B8D  }
0xaf: {  	_ =	swait.eq @p0 [sflag:s8], $0x1  }
0xb0: {  	[sflag:s8] =	ssyncadd.s32 @p0 $0xFFFFFFFF  }
0xb1: {  	s9 =	sshll.u32 @!p0 s1, $0xE  }
0xb2: {  	s9 =	sor.u32 @!p0 $0x4000, s9;
	s8 =	simm.s32 @!p0 $0x1B8D  }
0xb3: {  	s7 =	sshll.u32 @!p0 s7, $0x11;
	s9 =	sadd.s32 @!p0 $0x11B8D, s9;
	_ =	swait.eq @!p0 [sflag:s8], $0x1  }
0xb4: {  	s7 =	sor.u32 @!p0 s7, s9;
	[sflag:s8] =	ssyncadd.s32 @!p0 $0xFFFFFFFF  }
0xb5: {  	s25 =	simm.s32 $0x1B8E;
	s24 =	sld [smem:$0x3FFE];
	[sflag:s7] =	ssyncadd.remote.s32 @!p0 $0x1  }
0xb6: {  	s26 =	simm.s32 $execute0_lowered;
	[smem:$0x3FD2] =	sst s25  }
0xb7: {  	s8 =	sshll.u32 s26, $0x1;
	_ =	strace $0x80000049;
	[dreg:$0x1] =	wrdreg $0xFFFFFFFF  }
0xb8: {  	s28 =	simm.s32 $_size_execute0_lowered;
	s6 =	sadd.s32 s6, s8;
	[dreg:$0x0] =	wrdreg $0x0  }
0xb9: {  	s8 =	sshll.u32 s28, $0x1;
	[dreg:$0x2] =	wrdreg s6  }
0xba: {  	[dreg:$0x3] =	wrdreg s8  }
0xbb: {  	[dreg:$0x4] =	wrdreg $0xC0  }
0xbc: {  	_ =	task [dreg:s22], $0x5FFFF  }
0xbd: {  	[dreg:$0x1] =	wrdreg $0xFFFFFFFF  }
0xbe: {  	[dreg:$0x0] =	wrdreg $0x60  }
0xbf: {  	[dreg:$0x2] =	wrdreg s18  }
0xc0: {  	[dreg:$0x3] =	wrdreg s4  }
0xc1: {  	[dreg:$0x4] =	wrdreg s5  }
0xc2: {  	[dreg:$0x5] =	wrdreg s24  }
0xc3: {  	[dreg:$0x6] =	wrdreg $0xA  }
0xc4: {  	_ =	task.clear_ibuf [dreg:s22], $0x7FFFF;
	_ =	strace $0x90000049  }
0xc5: {  	s29 =	simm.s32 $0xA;
	_ =	strace $0x8000004B  }
0xc6: {  	_ =	swait.ge [sflag:s29], $0x1  }
0xc7: {  	[sflag:s29] =	ssyncadd.s32 $0xFFFFFFFF  }
0xc8: {  	_ =	strace $0x9000004B  }
0xc9: {  	_ =	sfence  }
0xca: {  	s30 =	sld [smem:$0x0];
	_ =	sdelay $0x2  }
0xcb: {  	s31 =	sshll.u32 s1, $0xD;
	s1 =	sshrl.u32 s1, $0x2  }
0xcc: {  	s4 =	sand.u32 $0x4000, s31;
	s1 =	sadd.s32 s1, s30  }
0xcd: {  	s0 =	sor.u32 s4, s0;
	s1 =	sshll.u32 s1, $0x11  }
0xce: {  	s0 =	sor.u32 s1, s0  }
0xcf: {  	s0 =	sadd.s32 $0x8F2B, s0  }
0xd0: {  	[sflag:s0] =	ssyncadd.remote.s32 $0x1  }
0xd1: {  	_ =	sfence.sel $0xFFFF  }
0xd2: {  	[dreg:$0x0] =	wrdreg $0xFFFFFFFF;
	(pc) =	sbr.abs _section_cstart, $3  }
0xd3: {  	[dreg:$0x1] =	wrdreg $0xFFFFFFFF  }
0xd4: {  	_ =	task.clear_ibuf [dreg:s22], $0x2FFFF;
	_ =	strace $0x9FFFFFFF  }
0xd5: {  	(tm) =	ssettm $0x7FFFFFFF  }
tec
execute0_lowered:
.L_overlay_start_1:
0x0: {  	(tag) =	ssettag $0x1  }
0x1: {  	s1 =	rddreg [dreg:$0x0];
	s3 =	srdreg.scid  }
0x2: {  	s2 =	rddreg [dreg:$0x1];
	s0 =	stileid.u32;
	s12 =	sand.u32 $0x1, s3  }
0x3: {  	s5 =	rddreg [dreg:$0x2];
	s31 =	sshll.u32 s0, $0x8;
	s4 =	sshll.u32 s12, $0x7  }
0x4: {  	s10 =	rddreg [dreg:$0x3];
	s11 =	sor.u32 s4, s31  }
0x5: {  	s3 =	rddreg [dreg:$0x4];
	s4 =	simm.s32 $0x0;
	s6 =	sshrl.u32 s11, $0x3  }
0x6: {  	[smem:$0x7FF] =	sst s4;
	s5 =	sadd.s32 s6, s5  }
0x7: {  	_ =	strace $0x8000004A;
	s6 =	simm.s32 $0x5;
	s5 =	sadd.s32 $0x600, s5  }
0x8: {  	[tilespmem:s4], [sflag:$0x5] =	stream.linear.gather [hbm4b:s5+s4], $0x80, $0x38;
	[tilespmem:$0x8080] =	vst v63  }
0x9: {  	_ =	swait.ge [sflag:s6], $0x80  }
0xa: {  	[sflag:s6] =	ssyncset.done $0x0  }
0xb: {  	s7 =	simm.s32 $0x80;
	[sflag:s6] =	ssyncadd.s32 $0xFFFFFF80  }
0xc: {  	[tilespmem:s7], [sflag:$0x1] =	stream.indirect.gather [hbm4b:s1+s7], $0x80, s4, s7, $0xb8;
	[tilespmem:$0x8080] =	vst v63  }
0xd: {  	s8 =	simm.s32 $0x4080;
	s9 =	simm.s32 $0x1  }
0xe: {  	[tilespmem:s8], [sflag:$0x2] =	stream.indirect.gather [hbm4b:s2+s7], $0x80, s4, s7, $0xb8;
	[tilespmem:$0x8080] =	vst v63  }
0xf: {  	s14 =	ssub.s32 $0x2, s12;
	s11 =	sshll.u32 s11, $0x4;
	_ =	swait.ge [sflag:s9], $0x4000  }
0x10: {  	s15 =	sshrl.u32 s14, $0x1;
	s13 =	sadd.s32 s11, s10;
	[sflag:s9] =	ssyncset.done $0x0  }
0x11: {  	s11 =	simm.s32 $0x2;
	s10 =	sadd.s32 $0x1A00, s13;
	[sflag:s9] =	ssyncadd.s32 $0xFFFFC000  }
0x12: {  	[hbm4b:s10+s4] =	stream.linear.scatter [tilespmem:s7], [sflag:$0x3], $0x4000, $0x38;
	[tilespmem:$0x8080] =	vst v63  }
0x13: {  	s14 =	ssub.s32 s14, s15;
	_ =	swait.ge [sflag:s11], $0x4000  }
0x14: {  	s15 =	smax.u32 s14, $0x1;
	s12 =	sadd.s32 $0x11A00, s13;
	[sflag:s11] =	ssyncset.done $0x0  }
0x15: {  	s13 =	simm.s32 $0x3;
	p0 =	sne.s32 s15, $0x1;
	[sflag:s11] =	ssyncadd.s32 $0xFFFFC000  }
0x16: {  	[hbm4b:s12+s4] =	stream.linear.scatter [tilespmem:s8], [sflag:$0x4], $0x4000, $0x38;
	[tilespmem:$0x8080] =	vst v63  }
.Ltmp0:
0x17: {  	_ =	swait.ge [sflag:s13], $0x4000;
	(pc) =	sbr.rel @!p0 .LBB2_2-.Ltmp0, $4  }
0x18: {  	[sflag:s13] =	ssyncset.done $0x0  }
0x19: {  	s14 =	simm.s32 $0x4;
	[sflag:s13] =	ssyncadd.s32 $0xFFFFC000  }
0x1a: {  	_ =	swait.ge [sflag:s14], $0x4000  }
0x1b: {  	s15 =	sadd.s32 $0xFFFFFFFF, s15;
	[sflag:s14] =	ssyncset.done $0x0  }
.LBB2_1:
0x1c: {  	p0 =	sne.s32 s15, $0x1;
	s15 =	sadd.s32 $0xFFFFFFFF, s15;
	[sflag:s14] =	ssyncadd.s32 $0xFFFFC000  }
0x1d: {  	[tilespmem:s4], [sflag:$0x5] =	stream.linear.gather [hbm4b:s5+s4], $0x80, $0x38;
	[tilespmem:$0x8080] =	vst v63  }
0x1e: {  	_ =	swait.ge [sflag:s6], $0x80  }
0x1f: {  	[sflag:s6] =	ssyncset.done $0x0  }
0x20: {  	[sflag:s6] =	ssyncadd.s32 $0xFFFFFF80  }
0x21: {  	[tilespmem:s7], [sflag:$0x1] =	stream.indirect.gather [hbm4b:s1+s7], $0x80, s4, s7, $0xb8;
	[tilespmem:$0x8080] =	vst v63  }
0x22: {  	_ = 	snop  }
0x23: {  	[tilespmem:s8], [sflag:$0x2] =	stream.indirect.gather [hbm4b:s2+s7], $0x80, s4, s7, $0xb8;
	[tilespmem:$0x8080] =	vst v63  }
0x24: {  	_ =	swait.ge [sflag:s9], $0x4000  }
0x25: {  	[sflag:s9] =	ssyncset.done $0x0  }
0x26: {  	[sflag:s9] =	ssyncadd.s32 $0xFFFFC000  }
0x27: {  	[hbm4b:s10+s4] =	stream.linear.scatter [tilespmem:s7], [sflag:$0x3], $0x4000, $0x38;
	[tilespmem:$0x8080] =	vst v63  }
0x28: {  	_ =	swait.ge [sflag:s11], $0x4000  }
0x29: {  	[sflag:s11] =	ssyncset.done $0x0  }
0x2a: {  	[sflag:s11] =	ssyncadd.s32 $0xFFFFC000  }
0x2b: {  	[hbm4b:s12+s4] =	stream.linear.scatter [tilespmem:s8], [sflag:$0x4], $0x4000, $0x38;
	[tilespmem:$0x8080] =	vst v63  }
.Ltmp1:
0x2c: {  	_ =	swait.ge [sflag:s13], $0x4000;
	(pc) =	sbr.rel @p0 .LBB2_1-.Ltmp1, $4  }
0x2d: {  	[sflag:s13] =	ssyncset.done $0x0  }
0x2e: {  	[sflag:s13] =	ssyncadd.s32 $0xFFFFC000  }
0x2f: {  	_ =	swait.ge [sflag:s14], $0x4000  }
0x30: {  	[sflag:s14] =	ssyncset.done $0x0  }
.LBB2_2:
0x31: {  	[sflag:s14] =	ssyncadd.s32 $0xFFFFC000  }
0x32: {  	_ =	sfence.sel $0x180000  }
0x33: {  	[bflag:$0x0] =	sbarrier.arrive $0xFFFF  }
0x34: {  	p0 =	sne.s32 s0, $0x0;
	_ =	strace $0x9000004A  }
0x35: {  	s0 =	sadd.s32 @!p0 $0x100000, s3;
	[bflag:$0x2] =	sbarrier.arrive $0xFFFF  }
0x36: {  	[sflag:s0] =	ssyncadd.tile.s32 @!p0 $0x1;
	_ =	shalt  }
.Lfunc_end2:
_tile_overlayer_lowered:
.L_overlay_start_2:
0x37: {  	(tag) =	ssettag $0x2  }
0x38: {  	s0 =	rddreg [dreg:$0x0];
	s2 =	stileid.u32  }
0x39: {  	s1 =	rddreg [dreg:$0x1];
	p0 =	sne.s32 s2, $0x0  }
0x3a: {  	s3 =	rddreg [dreg:$0x2];
	[bflag:$0x3] =	sbarrier.arrive $0xFFFF;
	s2 =	simm.s32 @!p0 $0x1C05  }
0x3b: {  	[timem:s3], [sflag:s2] =	dma.local @!p0 [hbm:s0], s1  }
0x3c: {  	s0 =	simm.s32 @!p0 $0x5  }
0x3d: {  	_ =	swait.ge @!p0 [sflag:s0], s1  }
0x3e: {  	s1 =	ssub.s32 @!p0 $0x0, s1;
	[sflag:s0] =	ssyncset.done @!p0 $0x0  }
0x3f: {  	[sflag:s0] =	ssyncadd.s32 @!p0 s1  }
0x40: {  	[bflag:$0x3] =	sbarrier.arrive $0xFFFF  }
0x41: {  	_ =	shalt  }

</sc_bundles>
